<compile_context>
chip_gen: v7x
topology: tpu7x:2x2x1
jax: 0.10.2.dev20260603
libtpu: 0.0.44.dev20260713+nightly
codegen_flags: <defaults>
</compile_context>

<pallas_src>
import functools

import jax
import jax.numpy as jnp
from jax import lax
from jax.experimental import pallas as pl
from jax.experimental.pallas import tpu as pltpu
from jax.experimental.pallas import tpu_sc as plsc

LAYER_DIM = 2048
BATCH = 16384
L = 16
NC = 2
NS = 16
NW = NC * NS
ROWS_PER_W = BATCH // NW
RB = 8
NBLK = ROWS_PER_W // RB
NCHUNK = LAYER_DIM // L


def _make_kernel():
    mesh = plsc.VectorSubcoreMesh(core_axis_name="c", subcore_axis_name="s")

    @functools.partial(
        pl.kernel,
        mesh=mesh,
        compiler_params=pltpu.CompilerParams(needs_layout_passes=False),
        out_type=jax.ShapeDtypeStruct((BATCH, LAYER_DIM), jnp.float32),
        scratch_types=[
            pltpu.VMEM((LAYER_DIM,), jnp.int32),
            pltpu.VMEM((RB, LAYER_DIM), jnp.float32),
            pltpu.VMEM((RB, LAYER_DIM), jnp.float32),
            pltpu.VMEM((RB, LAYER_DIM), jnp.float32),
            pltpu.VMEM((RB, LAYER_DIM), jnp.float32),
            pltpu.SemaphoreType.DMA,
            pltpu.SemaphoreType.DMA,
            pltpu.SemaphoreType.DMA,
            pltpu.SemaphoreType.DMA,
        ],
    )
    def permute_kernel(x_hbm, perm_hbm, out_hbm,
                       perm_v, xin0, xin1, xout0, xout1,
                       sin0, sin1, sout0, sout1):
        xin = (xin0, xin1)
        xout = (xout0, xout1)
        sin = (sin0, sin1)
        sout = (sout0, sout1)

        wid = lax.axis_index("s") * NC + lax.axis_index("c")
        base = wid * ROWS_PER_W
        pltpu.sync_copy(perm_hbm, perm_v)

        def in_cp(g, b):
            return pltpu.make_async_copy(
                x_hbm.at[pl.ds(base + g * RB, RB), :], xin[b], sin[b])

        def out_cp(g, b):
            return pltpu.make_async_copy(
                xout[b], out_hbm.at[pl.ds(base + g * RB, RB), :], sout[b])

        in_cp(0, 0).start()
        in_cp(1, 1).start()

        def pair_body(i, carry):
            for b in range(2):
                g = 2 * i + b
                in_cp(g, b).wait()

                @pl.when(i >= 1)
                def _():
                    out_cp(g - 2, b).wait()

                @plsc.parallel_loop(0, NCHUNK, 1, unroll=8)
                def chunk_body(j):
                    col_idx = perm_v[pl.ds(j * L, L)]
                    for r in range(RB):
                        row_idx = jnp.full((L,), r, dtype=jnp.int32)
                        vals = plsc.load_gather(xin[b], [row_idx, col_idx])
                        xout[b][r, pl.ds(j * L, L)] = vals
                out_cp(g, b).start()

                @pl.when(i < NBLK // 2 - 1)
                def _():
                    in_cp(g + 2, b).start()
            return carry

        lax.fori_loop(0, NBLK // 2, pair_body, 0)
        out_cp(NBLK - 2, 0).wait()
        out_cp(NBLK - 1, 1).wait()

    return permute_kernel


_PERMUTE = _make_kernel()


@jax.jit
def kernel(x, permutation):
    return _PERMUTE(x, permutation.astype(jnp.int32))

# --- scband reference (transcript-rebuilt; emitter-appended) ---
"""Pipeline reference for scband-permutation-21294447854292 (READ-ONLY COPY).

The authoritative reference and input builder live on the scoring server;
editing this copy changes nothing except your own understanding.
"""

import jax, jax.numpy as jnp
import numpy as np

LAYER_DIM = 2048
BATCH = 16384


def setup_inputs(seed: int = 0) -> dict:
    key = jax.random.key(seed)
    k1, k2 = jax.random.split(key)
    x = jax.random.normal(k1, (BATCH, LAYER_DIM), dtype=jnp.float32)
    # buffer created in __init__ via torch.randperm(layer_dim)
    permutation = jax.random.permutation(k2, LAYER_DIM)
    return {"x": x, "permutation": permutation}


def reference(x, permutation):
    # forward: x[:, self.permutation]  -> gather along axis 1
    return jnp.take(x, permutation, axis=1)

if __name__ == "__main__":
    import jax
    _d = setup_inputs()
    print(jax.jit(kernel)(*tuple(_d.values())))

</pallas_src>

<mosaic_0001>
#map = affine_map<(d0, d1) -> (0, 0)>
#map1 = affine_map<(d0, d1) -> (0)>
module attributes {stable_mosaic.version = 14 : i64} {
  func.func @permute_kernel(%arg0: i32, %arg1: i32, %arg2: memref<16384x2048xf32, #tpu.memory_space<hbm>>, %arg3: memref<2048xi32, #tpu.memory_space<hbm>>, %arg4: memref<16384x2048xf32, #tpu.memory_space<hbm>>, %arg5: memref<2048xi32, #tpu.memory_space<vmem>>, %arg6: memref<8x2048xf32, #tpu.memory_space<vmem>>, %arg7: memref<8x2048xf32, #tpu.memory_space<vmem>>, %arg8: memref<8x2048xf32, #tpu.memory_space<vmem>>, %arg9: memref<8x2048xf32, #tpu.memory_space<vmem>>, %arg10: memref<!tpu.dma_semaphore, #tpu.memory_space<semaphore_mem>>, %arg11: memref<!tpu.dma_semaphore, #tpu.memory_space<semaphore_mem>>, %arg12: memref<!tpu.dma_semaphore, #tpu.memory_space<semaphore_mem>>, %arg13: memref<!tpu.dma_semaphore, #tpu.memory_space<semaphore_mem>>) attributes {dimension_semantics = [#tpu.dimension_semantics<core_parallel>, #tpu.dimension_semantics<subcore_parallel>], iteration_bounds = array<i64: 2, 16>, scalar_prefetch = 0 : i64, scratch_operands = 9 : i64, tpu.core_type = #tpu.core_type<sc_vector_subcore>, window_params = [{transform_indices = #map}, {transform_indices = #map1}, {transform_indices = #map}]} {
    %mul3A = arith.constant 2 : i32
    %mul3A_0 = arith.muli %arg1, %mul3A : i32
    %add3A = arith.addi %mul3A_0, %arg0 : i32
    %mul3A_1 = arith.constant 512 : i32
    %mul3A_2 = arith.muli %add3A, %mul3A_1 : i32
    "tpu.region"() ({
      %run_scoped3A = tpu.sem_alloc : memref<!tpu.dma_semaphore, #tpu.memory_space<semaphore_mem>>
      tpu.enqueue_dma source(%arg3 : memref<2048xi32, #tpu.memory_space<hbm>>) target(%arg5 : memref<2048xi32, #tpu.memory_space<vmem>>) target_semaphore(%run_scoped3A : memref<!tpu.dma_semaphore, #tpu.memory_space<semaphore_mem>>)
      tpu.wait_dma2 semaphore(%run_scoped3A : memref<!tpu.dma_semaphore, #tpu.memory_space<semaphore_mem>>) src(%arg3 : memref<2048xi32, #tpu.memory_space<hbm>>) dst(%arg5 : memref<2048xi32, #tpu.memory_space<vmem>>)
      tpu.yield
    }) : () -> ()
    %add3A_3 = arith.constant 0 : i32
    %add3A_4 = arith.addi %mul3A_2, %add3A_3 : i32
    %dma_start3A = arith.constant 0 : i32
    %dma_start3A_5 = tpu.memref_slice %arg2[%add3A_4, %dma_start3A] : memref<16384x2048xf32, #tpu.memory_space<hbm>> -> memref<8x2048xf32, #tpu.memory_space<hbm>>
    %dma_start3A_6 = arith.constant 0 : i32
    %dma_start3A_7 = tpu.memref_slice %arg2[%add3A_4, %dma_start3A_6] : memref<16384x2048xf32, #tpu.memory_space<hbm>> -> memref<8x2048xf32, #tpu.memory_space<hbm>>
    tpu.enqueue_dma source(%dma_start3A_7 : memref<8x2048xf32, #tpu.memory_space<hbm>>) target(%arg6 : memref<8x2048xf32, #tpu.memory_space<vmem>>) target_semaphore(%arg10 : memref<!tpu.dma_semaphore, #tpu.memory_space<semaphore_mem>>)
    %add3A_8 = arith.constant 8 : i32
    %add3A_9 = arith.addi %mul3A_2, %add3A_8 : i32
    %dma_start3A_10 = arith.constant 0 : i32
    %dma_start3A_11 = tpu.memref_slice %arg2[%add3A_9, %dma_start3A_10] : memref<16384x2048xf32, #tpu.memory_space<hbm>> -> memref<8x2048xf32, #tpu.memory_space<hbm>>
    %dma_start3A_12 = arith.constant 0 : i32
    %dma_start3A_13 = tpu.memref_slice %arg2[%add3A_9, %dma_start3A_12] : memref<16384x2048xf32, #tpu.memory_space<hbm>> -> memref<8x2048xf32, #tpu.memory_space<hbm>>
    tpu.enqueue_dma source(%dma_start3A_13 : memref<8x2048xf32, #tpu.memory_space<hbm>>) target(%arg7 : memref<8x2048xf32, #tpu.memory_space<vmem>>) target_semaphore(%arg11 : memref<!tpu.dma_semaphore, #tpu.memory_space<semaphore_mem>>)
    %scan3A = arith.constant 0 : i32
    %scan3A_14 = arith.constant 0 : i32
    %scan3A_15 = arith.constant 32 : i32
    %scan3A_16 = arith.addi %scan3A_14, %scan3A_15 : i32
    %scan3A_17 = arith.constant 1 : i32
    scf.for %scan3A_30 = %scan3A_14 to %scan3A_16 step %scan3A_17  : i32 {
      %mul3A_31 = arith.constant 2 : i32
      %mul3A_32 = arith.muli %mul3A_31, %scan3A_30 : i32
      %add3A_33 = arith.constant 0 : i32
      %add3A_34 = arith.addi %mul3A_32, %add3A_33 : i32
      %mul3A_35 = arith.constant 8 : i32
      %mul3A_36 = arith.muli %add3A_34, %mul3A_35 : i32
      %add3A_37 = arith.addi %mul3A_2, %mul3A_36 : i32
      %dma_wait3A_38 = arith.constant 0 : i32
      %dma_wait3A_39 = tpu.memref_slice %arg2[%add3A_37, %dma_wait3A_38] : memref<16384x2048xf32, #tpu.memory_space<hbm>> -> memref<8x2048xf32, #tpu.memory_space<hbm>>
      %dma_wait3A_40 = arith.constant 0 : i32
      %dma_wait3A_41 = tpu.memref_slice %arg2[%add3A_37, %dma_wait3A_40] : memref<16384x2048xf32, #tpu.memory_space<hbm>> -> memref<8x2048xf32, #tpu.memory_space<hbm>>
      tpu.wait_dma2 semaphore(%arg10 : memref<!tpu.dma_semaphore, #tpu.memory_space<semaphore_mem>>) src(%dma_wait3A_41 : memref<8x2048xf32, #tpu.memory_space<hbm>>) dst(%arg6 : memref<8x2048xf32, #tpu.memory_space<vmem>>)
      %ge3A = arith.constant 1 : i32
      %ge3A_42 = arith.cmpi sge, %scan3A_30, %ge3A : i32
      %convert_element_type3A = arith.extui %ge3A_42 : i1 to i32
      %cond3A = arith.constant 0 : i32
      %cond3A_43 = arith.cmpi ne, %convert_element_type3A, %cond3A : i32
      scf.if %cond3A_43 {
        %sub3A = arith.constant 2 : i32
        %sub3A_88 = arith.subi %add3A_34, %sub3A : i32
        %mul3A_89 = arith.constant 8 : i32
        %mul3A_90 = arith.muli %sub3A_88, %mul3A_89 : i32
        %add3A_91 = arith.addi %mul3A_2, %mul3A_90 : i32
        %dma_wait3A_92 = arith.constant 0 : i32
        %dma_wait3A_93 = tpu.memref_slice %arg4[%add3A_91, %dma_wait3A_92] : memref<16384x2048xf32, #tpu.memory_space<hbm>> -> memref<8x2048xf32, #tpu.memory_space<hbm>>
        %dma_wait3A_94 = arith.constant 0 : i32
        %dma_wait3A_95 = tpu.memref_slice %arg4[%add3A_91, %dma_wait3A_94] : memref<16384x2048xf32, #tpu.memory_space<hbm>> -> memref<8x2048xf32, #tpu.memory_space<hbm>>
        tpu.wait_dma2 semaphore(%arg12 : memref<!tpu.dma_semaphore, #tpu.memory_space<semaphore_mem>>) src(%arg8 : memref<8x2048xf32, #tpu.memory_space<vmem>>) dst(%dma_wait3A_95 : memref<8x2048xf32, #tpu.memory_space<hbm>>)
      } else {
      }
      %parallel_loop3A = arith.constant 0 : i32
      %parallel_loop3A_44 = arith.constant 128 : i32
      %parallel_loop3A_45 = arith.constant 1 : i32
      scf.for %parallel_loop3A_88 = %parallel_loop3A to %parallel_loop3A_44 step %parallel_loop3A_45  : i32 {
        %parallel_loop3A_89 = arith.constant 16 : i32
        %parallel_loop3A_90 = arith.muli %parallel_loop3A_88, %parallel_loop3A_89 : i32
        %parallel_loop3A_91 = arith.index_cast %parallel_loop3A_90 : i32 to index
        %parallel_loop3A_92 = tpu.vector_load %arg5[%parallel_loop3A_91] {strides = array<i32>} : memref<2048xi32, #tpu.memory_space<vmem>>, vector<16xi32>,
        %parallel_loop3A_93 = arith.constant 0 : i32
        %parallel_loop3A_94 = vector.broadcast %parallel_loop3A_93 : i32 to vector<16xi32>
        %parallel_loop3A_95 = tpu.vector_load_idx %arg6[%parallel_loop3A_94, %parallel_loop3A_92] : memref<8x2048xf32, #tpu.memory_space<vmem>>[vector<16xi32>, vector<16xi32>], vector<16xf32>,
        %parallel_loop3A_96 = arith.constant 16 : i32
        %parallel_loop3A_97 = arith.muli %parallel_loop3A_88, %parallel_loop3A_96 : i32
        %parallel_loop3A_98 = arith.constant 0 : i32
        %parallel_loop3A_99 = arith.index_cast %parallel_loop3A_98 : i32 to index
        %parallel_loop3A_100 = arith.index_cast %parallel_loop3A_97 : i32 to index
        %parallel_loop3A_101 = tpu.vector_load %arg8[%parallel_loop3A_99, %parallel_loop3A_100] {strides = array<i32>} : memref<8x2048xf32, #tpu.memory_space<vmem>>, vector<16xf32>,
        tpu.vector_store %arg8[%parallel_loop3A_99, %parallel_loop3A_100], %parallel_loop3A_95 {strides = array<i32>} : memref<8x2048xf32, #tpu.memory_space<vmem>>, vector<16xf32>,
        %parallel_loop3A_102 = arith.constant 1 : i32
        %parallel_loop3A_103 = vector.broadcast %parallel_loop3A_102 : i32 to vector<16xi32>
        %parallel_loop3A_104 = tpu.vector_load_idx %arg6[%parallel_loop3A_103, %parallel_loop3A_92] : memref<8x2048xf32, #tpu.memory_space<vmem>>[vector<16xi32>, vector<16xi32>], vector<16xf32>,
        %parallel_loop3A_105 = arith.constant 16 : i32
        %parallel_loop3A_106 = arith.muli %parallel_loop3A_88, %parallel_loop3A_105 : i32
        %parallel_loop3A_107 = arith.constant 1 : i32
        %parallel_loop3A_108 = arith.index_cast %parallel_loop3A_107 : i32 to index
        %parallel_loop3A_109 = arith.index_cast %parallel_loop3A_106 : i32 to index
        %parallel_loop3A_110 = tpu.vector_load %arg8[%parallel_loop3A_108, %parallel_loop3A_109] {strides = array<i32>} : memref<8x2048xf32, #tpu.memory_space<vmem>>, vector<16xf32>,
        tpu.vector_store %arg8[%parallel_loop3A_108, %parallel_loop3A_109], %parallel_loop3A_104 {strides = array<i32>} : memref<8x2048xf32, #tpu.memory_space<vmem>>, vector<16xf32>,
        %parallel_loop3A_111 = arith.constant 2 : i32
        %parallel_loop3A_112 = vector.broadcast %parallel_loop3A_111 : i32 to vector<16xi32>
        %parallel_loop3A_113 = tpu.vector_load_idx %arg6[%parallel_loop3A_112, %parallel_loop3A_92] : memref<8x2048xf32, #tpu.memory_space<vmem>>[vector<16xi32>, vector<16xi32>], vector<16xf32>,
        %parallel_loop3A_114 = arith.constant 16 : i32
        %parallel_loop3A_115 = arith.muli %parallel_loop3A_88, %parallel_loop3A_114 : i32
        %parallel_loop3A_116 = arith.constant 2 : i32
        %parallel_loop3A_117 = arith.index_cast %parallel_loop3A_116 : i32 to index
        %parallel_loop3A_118 = arith.index_cast %parallel_loop3A_115 : i32 to index
        %parallel_loop3A_119 = tpu.vector_load %arg8[%parallel_loop3A_117, %parallel_loop3A_118] {strides = array<i32>} : memref<8x2048xf32, #tpu.memory_space<vmem>>, vector<16xf32>,
        tpu.vector_store %arg8[%parallel_loop3A_117, %parallel_loop3A_118], %parallel_loop3A_113 {strides = array<i32>} : memref<8x2048xf32, #tpu.memory_space<vmem>>, vector<16xf32>,
        %parallel_loop3A_120 = arith.constant 3 : i32
        %parallel_loop3A_121 = vector.broadcast %parallel_loop3A_120 : i32 to vector<16xi32>
        %parallel_loop3A_122 = tpu.vector_load_idx %arg6[%parallel_loop3A_121, %parallel_loop3A_92] : memref<8x2048xf32, #tpu.memory_space<vmem>>[vector<16xi32>, vector<16xi32>], vector<16xf32>,
        %parallel_loop3A_123 = arith.constant 16 : i32
        %parallel_loop3A_124 = arith.muli %parallel_loop3A_88, %parallel_loop3A_123 : i32
        %parallel_loop3A_125 = arith.constant 3 : i32
        %parallel_loop3A_126 = arith.index_cast %parallel_loop3A_125 : i32 to index
        %parallel_loop3A_127 = arith.index_cast %parallel_loop3A_124 : i32 to index
        %parallel_loop3A_128 = tpu.vector_load %arg8[%parallel_loop3A_126, %parallel_loop3A_127] {strides = array<i32>} : memref<8x2048xf32, #tpu.memory_space<vmem>>, vector<16xf32>,
        tpu.vector_store %arg8[%parallel_loop3A_126, %parallel_loop3A_127], %parallel_loop3A_122 {strides = array<i32>} : memref<8x2048xf32, #tpu.memory_space<vmem>>, vector<16xf32>,
        %parallel_loop3A_129 = arith.constant 4 : i32
        %parallel_loop3A_130 = vector.broadcast %parallel_loop3A_129 : i32 to vector<16xi32>
        %parallel_loop3A_131 = tpu.vector_load_idx %arg6[%parallel_loop3A_130, %parallel_loop3A_92] : memref<8x2048xf32, #tpu.memory_space<vmem>>[vector<16xi32>, vector<16xi32>], vector<16xf32>,
        %parallel_loop3A_132 = arith.constant 16 : i32
        %parallel_loop3A_133 = arith.muli %parallel_loop3A_88, %parallel_loop3A_132 : i32
        %parallel_loop3A_134 = arith.constant 4 : i32
        %parallel_loop3A_135 = arith.index_cast %parallel_loop3A_134 : i32 to index
        %parallel_loop3A_136 = arith.index_cast %parallel_loop3A_133 : i32 to index
        %parallel_loop3A_137 = tpu.vector_load %arg8[%parallel_loop3A_135, %parallel_loop3A_136] {strides = array<i32>} : memref<8x2048xf32, #tpu.memory_space<vmem>>, vector<16xf32>,
        tpu.vector_store %arg8[%parallel_loop3A_135, %parallel_loop3A_136], %parallel_loop3A_131 {strides = array<i32>} : memref<8x2048xf32, #tpu.memory_space<vmem>>, vector<16xf32>,
        %parallel_loop3A_138 = arith.constant 5 : i32
        %parallel_loop3A_139 = vector.broadcast %parallel_loop3A_138 : i32 to vector<16xi32>
        %parallel_loop3A_140 = tpu.vector_load_idx %arg6[%parallel_loop3A_139, %parallel_loop3A_92] : memref<8x2048xf32, #tpu.memory_space<vmem>>[vector<16xi32>, vector<16xi32>], vector<16xf32>,
        %parallel_loop3A_141 = arith.constant 16 : i32
        %parallel_loop3A_142 = arith.muli %parallel_loop3A_88, %parallel_loop3A_141 : i32
        %parallel_loop3A_143 = arith.constant 5 : i32
        %parallel_loop3A_144 = arith.index_cast %parallel_loop3A_143 : i32 to index
        %parallel_loop3A_145 = arith.index_cast %parallel_loop3A_142 : i32 to index
        %parallel_loop3A_146 = tpu.vector_load %arg8[%parallel_loop3A_144, %parallel_loop3A_145] {strides = array<i32>} : memref<8x2048xf32, #tpu.memory_space<vmem>>, vector<16xf32>,
        tpu.vector_store %arg8[%parallel_loop3A_144, %parallel_loop3A_145], %parallel_loop3A_140 {strides = array<i32>} : memref<8x2048xf32, #tpu.memory_space<vmem>>, vector<16xf32>,
        %parallel_loop3A_147 = arith.constant 6 : i32
        %parallel_loop3A_148 = vector.broadcast %parallel_loop3A_147 : i32 to vector<16xi32>
        %parallel_loop3A_149 = tpu.vector_load_idx %arg6[%parallel_loop3A_148, %parallel_loop3A_92] : memref<8x2048xf32, #tpu.memory_space<vmem>>[vector<16xi32>, vector<16xi32>], vector<16xf32>,
        %parallel_loop3A_150 = arith.constant 16 : i32
        %parallel_loop3A_151 = arith.muli %parallel_loop3A_88, %parallel_loop3A_150 : i32
        %parallel_loop3A_152 = arith.constant 6 : i32
        %parallel_loop3A_153 = arith.index_cast %parallel_loop3A_152 : i32 to index
        %parallel_loop3A_154 = arith.index_cast %parallel_loop3A_151 : i32 to index
        %parallel_loop3A_155 = tpu.vector_load %arg8[%parallel_loop3A_153, %parallel_loop3A_154] {strides = array<i32>} : memref<8x2048xf32, #tpu.memory_space<vmem>>, vector<16xf32>,
        tpu.vector_store %arg8[%parallel_loop3A_153, %parallel_loop3A_154], %parallel_loop3A_149 {strides = array<i32>} : memref<8x2048xf32, #tpu.memory_space<vmem>>, vector<16xf32>,
        %parallel_loop3A_156 = arith.constant 7 : i32
        %parallel_loop3A_157 = vector.broadcast %parallel_loop3A_156 : i32 to vector<16xi32>
        %parallel_loop3A_158 = tpu.vector_load_idx %arg6[%parallel_loop3A_157, %parallel_loop3A_92] : memref<8x2048xf32, #tpu.memory_space<vmem>>[vector<16xi32>, vector<16xi32>], vector<16xf32>,
        %parallel_loop3A_159 = arith.constant 16 : i32
        %parallel_loop3A_160 = arith.muli %parallel_loop3A_88, %parallel_loop3A_159 : i32
        %parallel_loop3A_161 = arith.constant 7 : i32
        %parallel_loop3A_162 = arith.index_cast %parallel_loop3A_161 : i32 to index
        %parallel_loop3A_163 = arith.index_cast %parallel_loop3A_160 : i32 to index
        %parallel_loop3A_164 = tpu.vector_load %arg8[%parallel_loop3A_162, %parallel_loop3A_163] {strides = array<i32>} : memref<8x2048xf32, #tpu.memory_space<vmem>>, vector<16xf32>,
        tpu.vector_store %arg8[%parallel_loop3A_162, %parallel_loop3A_163], %parallel_loop3A_158 {strides = array<i32>} : memref<8x2048xf32, #tpu.memory_space<vmem>>, vector<16xf32>,
      } {sc.loop_unroll_factor = 8 : i64, sc.parallel_access}
      %mul3A_46 = arith.constant 8 : i32
      %mul3A_47 = arith.muli %add3A_34, %mul3A_46 : i32
      %add3A_48 = arith.addi %mul3A_2, %mul3A_47 : i32
      %dma_start3A_49 = arith.constant 0 : i32
      %dma_start3A_50 = tpu.memref_slice %arg4[%add3A_48, %dma_start3A_49] : memref<16384x2048xf32, #tpu.memory_space<hbm>> -> memref<8x2048xf32, #tpu.memory_space<hbm>>
      %dma_start3A_51 = arith.constant 0 : i32
      %dma_start3A_52 = tpu.memref_slice %arg4[%add3A_48, %dma_start3A_51] : memref<16384x2048xf32, #tpu.memory_space<hbm>> -> memref<8x2048xf32, #tpu.memory_space<hbm>>
      tpu.enqueue_dma source(%arg8 : memref<8x2048xf32, #tpu.memory_space<vmem>>) target(%dma_start3A_52 : memref<8x2048xf32, #tpu.memory_space<hbm>>) target_semaphore(%arg12 : memref<!tpu.dma_semaphore, #tpu.memory_space<semaphore_mem>>)
      %lt3A = arith.constant 31 : i32
      %lt3A_53 = arith.cmpi slt, %scan3A_30, %lt3A : i32
      %convert_element_type3A_54 = arith.extui %lt3A_53 : i1 to i32
      %cond3A_55 = arith.constant 0 : i32
      %cond3A_56 = arith.cmpi ne, %convert_element_type3A_54, %cond3A_55 : i32
      scf.if %cond3A_56 {
        %add3A_88 = arith.constant 2 : i32
        %add3A_89 = arith.addi %add3A_34, %add3A_88 : i32
        %mul3A_90 = arith.constant 8 : i32
        %mul3A_91 = arith.muli %add3A_89, %mul3A_90 : i32
        %add3A_92 = arith.addi %mul3A_2, %mul3A_91 : i32
        %dma_start3A_93 = arith.constant 0 : i32
        %dma_start3A_94 = tpu.memref_slice %arg2[%add3A_92, %dma_start3A_93] : memref<16384x2048xf32, #tpu.memory_space<hbm>> -> memref<8x2048xf32, #tpu.memory_space<hbm>>
        %dma_start3A_95 = arith.constant 0 : i32
        %dma_start3A_96 = tpu.memref_slice %arg2[%add3A_92, %dma_start3A_95] : memref<16384x2048xf32, #tpu.memory_space<hbm>> -> memref<8x2048xf32, #tpu.memory_space<hbm>>
        tpu.enqueue_dma source(%dma_start3A_96 : memref<8x2048xf32, #tpu.memory_space<hbm>>) target(%arg6 : memref<8x2048xf32, #tpu.memory_space<vmem>>) target_semaphore(%arg10 : memref<!tpu.dma_semaphore, #tpu.memory_space<semaphore_mem>>)
      } else {
      }
      %mul3A_57 = arith.constant 2 : i32
      %mul3A_58 = arith.muli %mul3A_57, %scan3A_30 : i32
      %add3A_59 = arith.constant 1 : i32
      %add3A_60 = arith.addi %mul3A_58, %add3A_59 : i32
      %mul3A_61 = arith.constant 8 : i32
      %mul3A_62 = arith.muli %add3A_60, %mul3A_61 : i32
      %add3A_63 = arith.addi %mul3A_2, %mul3A_62 : i32
      %dma_wait3A_64 = arith.constant 0 : i32
      %dma_wait3A_65 = tpu.memref_slice %arg2[%add3A_63, %dma_wait3A_64] : memref<16384x2048xf32, #tpu.memory_space<hbm>> -> memref<8x2048xf32, #tpu.memory_space<hbm>>
      %dma_wait3A_66 = arith.constant 0 : i32
      %dma_wait3A_67 = tpu.memref_slice %arg2[%add3A_63, %dma_wait3A_66] : memref<16384x2048xf32, #tpu.memory_space<hbm>> -> memref<8x2048xf32, #tpu.memory_space<hbm>>
      tpu.wait_dma2 semaphore(%arg11 : memref<!tpu.dma_semaphore, #tpu.memory_space<semaphore_mem>>) src(%dma_wait3A_67 : memref<8x2048xf32, #tpu.memory_space<hbm>>) dst(%arg7 : memref<8x2048xf32, #tpu.memory_space<vmem>>)
      %ge3A_68 = arith.constant 1 : i32
      %ge3A_69 = arith.cmpi sge, %scan3A_30, %ge3A_68 : i32
      %convert_element_type3A_70 = arith.extui %ge3A_69 : i1 to i32
      %cond3A_71 = arith.constant 0 : i32
      %cond3A_72 = arith.cmpi ne, %convert_element_type3A_70, %cond3A_71 : i32
      scf.if %cond3A_72 {
        %sub3A = arith.constant 2 : i32
        %sub3A_88 = arith.subi %add3A_60, %sub3A : i32
        %mul3A_89 = arith.constant 8 : i32
        %mul3A_90 = arith.muli %sub3A_88, %mul3A_89 : i32
        %add3A_91 = arith.addi %mul3A_2, %mul3A_90 : i32
        %dma_wait3A_92 = arith.constant 0 : i32
        %dma_wait3A_93 = tpu.memref_slice %arg4[%add3A_91, %dma_wait3A_92] : memref<16384x2048xf32, #tpu.memory_space<hbm>> -> memref<8x2048xf32, #tpu.memory_space<hbm>>
        %dma_wait3A_94 = arith.constant 0 : i32
        %dma_wait3A_95 = tpu.memref_slice %arg4[%add3A_91, %dma_wait3A_94] : memref<16384x2048xf32, #tpu.memory_space<hbm>> -> memref<8x2048xf32, #tpu.memory_space<hbm>>
        tpu.wait_dma2 semaphore(%arg13 : memref<!tpu.dma_semaphore, #tpu.memory_space<semaphore_mem>>) src(%arg9 : memref<8x2048xf32, #tpu.memory_space<vmem>>) dst(%dma_wait3A_95 : memref<8x2048xf32, #tpu.memory_space<hbm>>)
      } else {
      }
      %parallel_loop3A_73 = arith.constant 0 : i32
      %parallel_loop3A_74 = arith.constant 128 : i32
      %parallel_loop3A_75 = arith.constant 1 : i32
      scf.for %parallel_loop3A_88 = %parallel_loop3A_73 to %parallel_loop3A_74 step %parallel_loop3A_75  : i32 {
        %parallel_loop3A_89 = arith.constant 16 : i32
        %parallel_loop3A_90 = arith.muli %parallel_loop3A_88, %parallel_loop3A_89 : i32
        %parallel_loop3A_91 = arith.index_cast %parallel_loop3A_90 : i32 to index
        %parallel_loop3A_92 = tpu.vector_load %arg5[%parallel_loop3A_91] {strides = array<i32>} : memref<2048xi32, #tpu.memory_space<vmem>>, vector<16xi32>,
        %parallel_loop3A_93 = arith.constant 0 : i32
        %parallel_loop3A_94 = vector.broadcast %parallel_loop3A_93 : i32 to vector<16xi32>
        %parallel_loop3A_95 = tpu.vector_load_idx %arg7[%parallel_loop3A_94, %parallel_loop3A_92] : memref<8x2048xf32, #tpu.memory_space<vmem>>[vector<16xi32>, vector<16xi32>], vector<16xf32>,
        %parallel_loop3A_96 = arith.constant 16 : i32
        %parallel_loop3A_97 = arith.muli %parallel_loop3A_88, %parallel_loop3A_96 : i32
        %parallel_loop3A_98 = arith.constant 0 : i32
        %parallel_loop3A_99 = arith.index_cast %parallel_loop3A_98 : i32 to index
        %parallel_loop3A_100 = arith.index_cast %parallel_loop3A_97 : i32 to index
        %parallel_loop3A_101 = tpu.vector_load %arg9[%parallel_loop3A_99, %parallel_loop3A_100] {strides = array<i32>} : memref<8x2048xf32, #tpu.memory_space<vmem>>, vector<16xf32>,
        tpu.vector_store %arg9[%parallel_loop3A_99, %parallel_loop3A_100], %parallel_loop3A_95 {strides = array<i32>} : memref<8x2048xf32, #tpu.memory_space<vmem>>, vector<16xf32>,
        %parallel_loop3A_102 = arith.constant 1 : i32
        %parallel_loop3A_103 = vector.broadcast %parallel_loop3A_102 : i32 to vector<16xi32>
        %parallel_loop3A_104 = tpu.vector_load_idx %arg7[%parallel_loop3A_103, %parallel_loop3A_92] : memref<8x2048xf32, #tpu.memory_space<vmem>>[vector<16xi32>, vector<16xi32>], vector<16xf32>,
        %parallel_loop3A_105 = arith.constant 16 : i32
        %parallel_loop3A_106 = arith.muli %parallel_loop3A_88, %parallel_loop3A_105 : i32
        %parallel_loop3A_107 = arith.constant 1 : i32
        %parallel_loop3A_108 = arith.index_cast %parallel_loop3A_107 : i32 to index
        %parallel_loop3A_109 = arith.index_cast %parallel_loop3A_106 : i32 to index
        %parallel_loop3A_110 = tpu.vector_load %arg9[%parallel_loop3A_108, %parallel_loop3A_109] {strides = array<i32>} : memref<8x2048xf32, #tpu.memory_space<vmem>>, vector<16xf32>,
        tpu.vector_store %arg9[%parallel_loop3A_108, %parallel_loop3A_109], %parallel_loop3A_104 {strides = array<i32>} : memref<8x2048xf32, #tpu.memory_space<vmem>>, vector<16xf32>,
        %parallel_loop3A_111 = arith.constant 2 : i32
        %parallel_loop3A_112 = vector.broadcast %parallel_loop3A_111 : i32 to vector<16xi32>
        %parallel_loop3A_113 = tpu.vector_load_idx %arg7[%parallel_loop3A_112, %parallel_loop3A_92] : memref<8x2048xf32, #tpu.memory_space<vmem>>[vector<16xi32>, vector<16xi32>], vector<16xf32>,
        %parallel_loop3A_114 = arith.constant 16 : i32
        %parallel_loop3A_115 = arith.muli %parallel_loop3A_88, %parallel_loop3A_114 : i32
        %parallel_loop3A_116 = arith.constant 2 : i32
        %parallel_loop3A_117 = arith.index_cast %parallel_loop3A_116 : i32 to index
        %parallel_loop3A_118 = arith.index_cast %parallel_loop3A_115 : i32 to index
        %parallel_loop3A_119 = tpu.vector_load %arg9[%parallel_loop3A_117, %parallel_loop3A_118] {strides = array<i32>} : memref<8x2048xf32, #tpu.memory_space<vmem>>, vector<16xf32>,
        tpu.vector_store %arg9[%parallel_loop3A_117, %parallel_loop3A_118], %parallel_loop3A_113 {strides = array<i32>} : memref<8x2048xf32, #tpu.memory_space<vmem>>, vector<16xf32>,
        %parallel_loop3A_120 = arith.constant 3 : i32
        %parallel_loop3A_121 = vector.broadcast %parallel_loop3A_120 : i32 to vector<16xi32>
        %parallel_loop3A_122 = tpu.vector_load_idx %arg7[%parallel_loop3A_121, %parallel_loop3A_92] : memref<8x2048xf32, #tpu.memory_space<vmem>>[vector<16xi32>, vector<16xi32>], vector<16xf32>,
        %parallel_loop3A_123 = arith.constant 16 : i32
        %parallel_loop3A_124 = arith.muli %parallel_loop3A_88, %parallel_loop3A_123 : i32
        %parallel_loop3A_125 = arith.constant 3 : i32
        %parallel_loop3A_126 = arith.index_cast %parallel_loop3A_125 : i32 to index
        %parallel_loop3A_127 = arith.index_cast %parallel_loop3A_124 : i32 to index
        %parallel_loop3A_128 = tpu.vector_load %arg9[%parallel_loop3A_126, %parallel_loop3A_127] {strides = array<i32>} : memref<8x2048xf32, #tpu.memory_space<vmem>>, vector<16xf32>,
        tpu.vector_store %arg9[%parallel_loop3A_126, %parallel_loop3A_127], %parallel_loop3A_122 {strides = array<i32>} : memref<8x2048xf32, #tpu.memory_space<vmem>>, vector<16xf32>,
        %parallel_loop3A_129 = arith.constant 4 : i32
        %parallel_loop3A_130 = vector.broadcast %parallel_loop3A_129 : i32 to vector<16xi32>
        %parallel_loop3A_131 = tpu.vector_load_idx %arg7[%parallel_loop3A_130, %parallel_loop3A_92] : memref<8x2048xf32, #tpu.memory_space<vmem>>[vector<16xi32>, vector<16xi32>], vector<16xf32>,
        %parallel_loop3A_132 = arith.constant 16 : i32
        %parallel_loop3A_133 = arith.muli %parallel_loop3A_88, %parallel_loop3A_132 : i32
        %parallel_loop3A_134 = arith.constant 4 : i32
        %parallel_loop3A_135 = arith.index_cast %parallel_loop3A_134 : i32 to index
        %parallel_loop3A_136 = arith.index_cast %parallel_loop3A_133 : i32 to index
        %parallel_loop3A_137 = tpu.vector_load %arg9[%parallel_loop3A_135, %parallel_loop3A_136] {strides = array<i32>} : memref<8x2048xf32, #tpu.memory_space<vmem>>, vector<16xf32>,
        tpu.vector_store %arg9[%parallel_loop3A_135, %parallel_loop3A_136], %parallel_loop3A_131 {strides = array<i32>} : memref<8x2048xf32, #tpu.memory_space<vmem>>, vector<16xf32>,
        %parallel_loop3A_138 = arith.constant 5 : i32
        %parallel_loop3A_139 = vector.broadcast %parallel_loop3A_138 : i32 to vector<16xi32>
        %parallel_loop3A_140 = tpu.vector_load_idx %arg7[%parallel_loop3A_139, %parallel_loop3A_92] : memref<8x2048xf32, #tpu.memory_space<vmem>>[vector<16xi32>, vector<16xi32>], vector<16xf32>,
        %parallel_loop3A_141 = arith.constant 16 : i32
        %parallel_loop3A_142 = arith.muli %parallel_loop3A_88, %parallel_loop3A_141 : i32
        %parallel_loop3A_143 = arith.constant 5 : i32
        %parallel_loop3A_144 = arith.index_cast %parallel_loop3A_143 : i32 to index
        %parallel_loop3A_145 = arith.index_cast %parallel_loop3A_142 : i32 to index
        %parallel_loop3A_146 = tpu.vector_load %arg9[%parallel_loop3A_144, %parallel_loop3A_145] {strides = array<i32>} : memref<8x2048xf32, #tpu.memory_space<vmem>>, vector<16xf32>,
        tpu.vector_store %arg9[%parallel_loop3A_144, %parallel_loop3A_145], %parallel_loop3A_140 {strides = array<i32>} : memref<8x2048xf32, #tpu.memory_space<vmem>>, vector<16xf32>,
        %parallel_loop3A_147 = arith.constant 6 : i32
        %parallel_loop3A_148 = vector.broadcast %parallel_loop3A_147 : i32 to vector<16xi32>
        %parallel_loop3A_149 = tpu.vector_load_idx %arg7[%parallel_loop3A_148, %parallel_loop3A_92] : memref<8x2048xf32, #tpu.memory_space<vmem>>[vector<16xi32>, vector<16xi32>], vector<16xf32>,
        %parallel_loop3A_150 = arith.constant 16 : i32
        %parallel_loop3A_151 = arith.muli %parallel_loop3A_88, %parallel_loop3A_150 : i32
        %parallel_loop3A_152 = arith.constant 6 : i32
        %parallel_loop3A_153 = arith.index_cast %parallel_loop3A_152 : i32 to index
        %parallel_loop3A_154 = arith.index_cast %parallel_loop3A_151 : i32 to index
        %parallel_loop3A_155 = tpu.vector_load %arg9[%parallel_loop3A_153, %parallel_loop3A_154] {strides = array<i32>} : memref<8x2048xf32, #tpu.memory_space<vmem>>, vector<16xf32>,
        tpu.vector_store %arg9[%parallel_loop3A_153, %parallel_loop3A_154], %parallel_loop3A_149 {strides = array<i32>} : memref<8x2048xf32, #tpu.memory_space<vmem>>, vector<16xf32>,
        %parallel_loop3A_156 = arith.constant 7 : i32
        %parallel_loop3A_157 = vector.broadcast %parallel_loop3A_156 : i32 to vector<16xi32>
        %parallel_loop3A_158 = tpu.vector_load_idx %arg7[%parallel_loop3A_157, %parallel_loop3A_92] : memref<8x2048xf32, #tpu.memory_space<vmem>>[vector<16xi32>, vector<16xi32>], vector<16xf32>,
        %parallel_loop3A_159 = arith.constant 16 : i32
        %parallel_loop3A_160 = arith.muli %parallel_loop3A_88, %parallel_loop3A_159 : i32
        %parallel_loop3A_161 = arith.constant 7 : i32
        %parallel_loop3A_162 = arith.index_cast %parallel_loop3A_161 : i32 to index
        %parallel_loop3A_163 = arith.index_cast %parallel_loop3A_160 : i32 to index
        %parallel_loop3A_164 = tpu.vector_load %arg9[%parallel_loop3A_162, %parallel_loop3A_163] {strides = array<i32>} : memref<8x2048xf32, #tpu.memory_space<vmem>>, vector<16xf32>,
        tpu.vector_store %arg9[%parallel_loop3A_162, %parallel_loop3A_163], %parallel_loop3A_158 {strides = array<i32>} : memref<8x2048xf32, #tpu.memory_space<vmem>>, vector<16xf32>,
      } {sc.loop_unroll_factor = 8 : i64, sc.parallel_access}
      %mul3A_76 = arith.constant 8 : i32
      %mul3A_77 = arith.muli %add3A_60, %mul3A_76 : i32
      %add3A_78 = arith.addi %mul3A_2, %mul3A_77 : i32
      %dma_start3A_79 = arith.constant 0 : i32
      %dma_start3A_80 = tpu.memref_slice %arg4[%add3A_78, %dma_start3A_79] : memref<16384x2048xf32, #tpu.memory_space<hbm>> -> memref<8x2048xf32, #tpu.memory_space<hbm>>
      %dma_start3A_81 = arith.constant 0 : i32
      %dma_start3A_82 = tpu.memref_slice %arg4[%add3A_78, %dma_start3A_81] : memref<16384x2048xf32, #tpu.memory_space<hbm>> -> memref<8x2048xf32, #tpu.memory_space<hbm>>
      tpu.enqueue_dma source(%arg9 : memref<8x2048xf32, #tpu.memory_space<vmem>>) target(%dma_start3A_82 : memref<8x2048xf32, #tpu.memory_space<hbm>>) target_semaphore(%arg13 : memref<!tpu.dma_semaphore, #tpu.memory_space<semaphore_mem>>)
      %lt3A_83 = arith.constant 31 : i32
      %lt3A_84 = arith.cmpi slt, %scan3A_30, %lt3A_83 : i32
      %convert_element_type3A_85 = arith.extui %lt3A_84 : i1 to i32
      %cond3A_86 = arith.constant 0 : i32
      %cond3A_87 = arith.cmpi ne, %convert_element_type3A_85, %cond3A_86 : i32
      scf.if %cond3A_87 {
        %add3A_88 = arith.constant 2 : i32
        %add3A_89 = arith.addi %add3A_60, %add3A_88 : i32
        %mul3A_90 = arith.constant 8 : i32
        %mul3A_91 = arith.muli %add3A_89, %mul3A_90 : i32
        %add3A_92 = arith.addi %mul3A_2, %mul3A_91 : i32
        %dma_start3A_93 = arith.constant 0 : i32
        %dma_start3A_94 = tpu.memref_slice %arg2[%add3A_92, %dma_start3A_93] : memref<16384x2048xf32, #tpu.memory_space<hbm>> -> memref<8x2048xf32, #tpu.memory_space<hbm>>
        %dma_start3A_95 = arith.constant 0 : i32
        %dma_start3A_96 = tpu.memref_slice %arg2[%add3A_92, %dma_start3A_95] : memref<16384x2048xf32, #tpu.memory_space<hbm>> -> memref<8x2048xf32, #tpu.memory_space<hbm>>
        tpu.enqueue_dma source(%dma_start3A_96 : memref<8x2048xf32, #tpu.memory_space<hbm>>) target(%arg7 : memref<8x2048xf32, #tpu.memory_space<vmem>>) target_semaphore(%arg11 : memref<!tpu.dma_semaphore, #tpu.memory_space<semaphore_mem>>)
      } else {
      }
    }
    %scan3A_18 = arith.constant 32 : i32
    %add3A_19 = arith.constant 496 : i32
    %add3A_20 = arith.addi %mul3A_2, %add3A_19 : i32
    %dma_wait3A = arith.constant 0 : i32
    %dma_wait3A_21 = tpu.memref_slice %arg4[%add3A_20, %dma_wait3A] : memref<16384x2048xf32, #tpu.memory_space<hbm>> -> memref<8x2048xf32, #tpu.memory_space<hbm>>
    %dma_wait3A_22 = arith.constant 0 : i32
    %dma_wait3A_23 = tpu.memref_slice %arg4[%add3A_20, %dma_wait3A_22] : memref<16384x2048xf32, #tpu.memory_space<hbm>> -> memref<8x2048xf32, #tpu.memory_space<hbm>>
    tpu.wait_dma2 semaphore(%arg12 : memref<!tpu.dma_semaphore, #tpu.memory_space<semaphore_mem>>) src(%arg8 : memref<8x2048xf32, #tpu.memory_space<vmem>>) dst(%dma_wait3A_23 : memref<8x2048xf32, #tpu.memory_space<hbm>>)
    %add3A_24 = arith.constant 504 : i32
    %add3A_25 = arith.addi %mul3A_2, %add3A_24 : i32
    %dma_wait3A_26 = arith.constant 0 : i32
    %dma_wait3A_27 = tpu.memref_slice %arg4[%add3A_25, %dma_wait3A_26] : memref<16384x2048xf32, #tpu.memory_space<hbm>> -> memref<8x2048xf32, #tpu.memory_space<hbm>>
    %dma_wait3A_28 = arith.constant 0 : i32
    %dma_wait3A_29 = tpu.memref_slice %arg4[%add3A_25, %dma_wait3A_28] : memref<16384x2048xf32, #tpu.memory_space<hbm>> -> memref<8x2048xf32, #tpu.memory_space<hbm>>
    tpu.wait_dma2 semaphore(%arg13 : memref<!tpu.dma_semaphore, #tpu.memory_space<semaphore_mem>>) src(%arg9 : memref<8x2048xf32, #tpu.memory_space<vmem>>) dst(%dma_wait3A_29 : memref<8x2048xf32, #tpu.memory_space<hbm>>)
    return
  }
}

</mosaic_0001>

<sc_bundles>
// kernel: kernel.3.cloned.1.call-start
scs
__scs_entry_jumppad:
0x0: {  	(pc) =	sbr.rel $0x88, $3  }
0x1: {  	(tag) =	ssettag $0x0;
	lr =	simm.s32 $0x1  }
0x2: {  	[smem:$0x3F9F] =	sst lr;
	_ =	strace $0xD0000000  }
0x3: {  	_ = 	snop  }
0x4: {  	_ = 	snop  }
0x5: {  	_ = 	snop  }
0x6: {  	_ = 	snop  }
0x7: {  	_ = 	snop  }
__scs_overlays_trampoline_lowered:
0x8: {  	[smem:$0x3FAE] =	sst s0  }
0x9: {  	[smem:$0x3FAF] =	sst s1  }
0xa: {  	[smem:$0x3FB0] =	sst s2  }
0xb: {  	[smem:$0x3FB1] =	sst s3  }
0xc: {  	[smem:$0x3FB2] =	sst s4  }
0xd: {  	[smem:$0x3FB3] =	sst s5  }
0xe: {  	[smem:$0x3FB4] =	sst s6  }
0xf: {  	[smem:$0x3FB5] =	sst s7  }
0x10: {  	[smem:$0x3FB6] =	sst s8  }
0x11: {  	[smem:$0x3FB7] =	sst s9;
	s0 =	simm.s32 @!p0 $0x0  }
0x12: {  	s1 =	sld [smem:$0x3F9D];
	s0 =	simm.s32 @p0 $0x1  }
0x13: {  	[smem:$0x3FB8] =	sst s0;
	s0 =	simm.s32 @!p1 $0x0  }
0x14: {  	s2 =	sld [smem:$0x3F9C];
	s0 =	simm.s32 @p1 $0x1  }
0x15: {  	[smem:$0x3FB9] =	sst s0;
	s0 =	simm.s32 @!p2 $0x0  }
0x16: {  	s3 =	sld [smem:$0x3FDB];
	s0 =	simm.s32 @p2 $0x1  }
0x17: {  	s4 =	simm.s32 $0x1BF5;
	[smem:$0x3FBB] =	sst s0  }
0x18: {  	s0 =	sld [smem:$0x3F9E];
	_ =	swait.ge [sflag:s4], $0x0  }
0x19: {  	s7 =	sld [smem:$0x3F9F]  }
0x1a: {  	s8 =	sadd.s32 $0xFFFFE003, lr  }
0x1b: {  	s9 =	sadd.s32 $0xFFFFFEF7, lr;
	s5 =	simm.s32 $0xFFFFFFFF;
	p2 =	slt.u32 s8, $0xFFFFF086  }
0x1c: {  	p1 =	slt.u32 s9, $0xF7A;
	s5 =	simm.s32 @!p2 $0x0  }
0x1d: {  	s5 =	simm.s32 @p1 $0x1;
	p0 =	seq.s32 s7, s2  }
0x1e: {  	s7 =	smul.u32 @!p0 $0xF7A, s2;
	p2 =	seq.s32 @!p0 s5, $0x0  }
0x1f: {  	s9 =	smul.u32 $0xF7A, s1;
	s8 =	simm.s32 @!p0 $0x1BF5;
	p2 =	por !p2, p0  }
0x20: {  	[sflag:s8] =	ssyncset.s32 @!p0 $0xFFFFF086;
	s6 =	sadd.s32 @!p0 s3, s7;
	s7 =	simm.s32 @!p0 $0x108  }
0x21: {  	s3 =	sadd.s32 s3, s9;
	s6 =	sadd.s32 @!p0 $0x88, s6;
	s7 =	simm.s32 @p2 $0x1082  }
0x22: {  	[simem:s7], [sflag:s8] =	dma.local @!p0 [hbm:s6], $0xF7A  }
0x23: {  	s9 =	sor.u32 $0xD0000000, s2;
	s6 =	simm.s32 $0x108;
	_ =	swait.ge @!p0 [sflag:s8], $0x0  }
0x24: {  	s3 =	sadd.s32 $0x88, s3;
	s6 =	simm.s32 @!p1 $0x1082;
	[sflag:s4] =	ssyncset.s32 $0xFFFFF086  }
0x25: {  	[simem:s6], [sflag:s4] =	dma.local [hbm:s3], $0xF7A  }
0x26: {  	[smem:$0x3F9F] =	sst s1;
	(tag) =	ssettag s2;
	_ =	strace s9  }
0x27: {  	s1 =	sld [smem:$0x3FAF]  }
0x28: {  	s2 =	sld [smem:$0x3FB0]  }
0x29: {  	s4 =	sld [smem:$0x3FB2]  }
0x2a: {  	p0 =	seq.s32 s5, $0x0;
	s5 =	sld [smem:$0x3FB3]  }
0x2b: {  	s6 =	sld [smem:$0x3FB4]  }
0x2c: {  	s7 =	sld [smem:$0x3FB5]  }
0x2d: {  	s3 =	simm.s32 $0x108;
	s8 =	sld [smem:$0x3FB6]  }
0x2e: {  	s3 =	simm.s32 @!p0 $0x1082;
	s9 =	sld [smem:$0x3FB7]  }
0x2f: {  	lr =	sadd.s32 s0, s3;
	s0 =	sld [smem:$0x3FAE]  }
0x30: {  	s3 =	sld [smem:$0x3FB1]  }
0x31: {  	[smem:$0x3FBA] =	sst s10  }
0x32: {  	s10 =	sld [smem:$0x3FB8];
	_ =	sdelay $0x3  }
0x33: {  	p0 =	seq.s32 s10, $0x1;
	s10 =	sld [smem:$0x3FBA];
	_ =	sdelay $0x3  }
0x34: {  	[smem:$0x3FBA] =	sst s10  }
0x35: {  	s10 =	sld [smem:$0x3FB9];
	_ =	sdelay $0x3  }
0x36: {  	p1 =	seq.s32 s10, $0x1;
	s10 =	sld [smem:$0x3FBA];
	_ =	sdelay $0x3  }
0x37: {  	[smem:$0x3FBA] =	sst s10  }
0x38: {  	s10 =	sld [smem:$0x3FBB]  }
0x39: {  	_ = 	snop;
	(pc) =	sbr.ind lr, $3  }
0x3a: {  	_ = 	snop  }
0x3b: {  	_ = 	snop  }
0x3c: {  	p2 =	seq.s32 s10, $0x1;
	s10 =	sld [smem:$0x3FBA]  }
0x3d: {  	_ =	shalt  }
0x3e: {  	_ =	shalt  }
0x3f: {  	_ =	shalt  }
0x40: {  	_ =	shalt  }
0x41: {  	_ =	shalt  }
0x42: {  	_ =	shalt  }
0x43: {  	_ =	shalt  }
0x44: {  	_ =	shalt  }
0x45: {  	_ =	shalt  }
0x46: {  	_ =	shalt  }
0x47: {  	_ =	shalt  }
0x48: {  	_ =	shalt  }
0x49: {  	_ =	shalt  }
0x4a: {  	_ =	shalt  }
0x4b: {  	_ =	shalt  }
0x4c: {  	_ =	shalt  }
0x4d: {  	_ =	shalt  }
0x4e: {  	_ =	shalt  }
0x4f: {  	_ =	shalt  }
0x50: {  	_ =	shalt  }
0x51: {  	_ =	shalt  }
0x52: {  	_ =	shalt  }
0x53: {  	_ =	shalt  }
0x54: {  	_ =	shalt  }
0x55: {  	_ =	shalt  }
0x56: {  	_ =	shalt  }
0x57: {  	_ =	shalt  }
0x58: {  	_ =	shalt  }
0x59: {  	_ =	shalt  }
0x5a: {  	_ =	shalt  }
0x5b: {  	_ =	shalt  }
0x5c: {  	_ =	shalt  }
0x5d: {  	_ =	shalt  }
0x5e: {  	_ =	shalt  }
0x5f: {  	_ =	shalt  }
0x60: {  	_ =	shalt  }
0x61: {  	_ =	shalt  }
0x62: {  	_ =	shalt  }
0x63: {  	_ =	shalt  }
0x64: {  	_ =	shalt  }
0x65: {  	_ =	shalt  }
0x66: {  	_ =	shalt  }
0x67: {  	_ =	shalt  }
0x68: {  	_ =	shalt  }
0x69: {  	_ =	shalt  }
0x6a: {  	_ =	shalt  }
0x6b: {  	_ =	shalt  }
0x6c: {  	_ =	shalt  }
0x6d: {  	_ =	shalt  }
0x6e: {  	_ =	shalt  }
0x6f: {  	_ =	shalt  }
0x70: {  	_ =	shalt  }
0x71: {  	_ =	shalt  }
0x72: {  	_ =	shalt  }
0x73: {  	_ =	shalt  }
0x74: {  	_ =	shalt  }
0x75: {  	_ =	shalt  }
0x76: {  	_ =	shalt  }
0x77: {  	_ =	shalt  }
0x78: {  	_ =	shalt  }
0x79: {  	_ =	shalt  }
0x7a: {  	_ =	shalt  }
0x7b: {  	_ =	shalt  }
0x7c: {  	_ =	shalt  }
0x7d: {  	_ =	shalt  }
0x7e: {  	_ =	shalt  }
0x7f: {  	_ =	shalt  }
0x80: {  	_ =	shalt  }
0x81: {  	_ =	shalt  }
0x82: {  	_ =	shalt  }
0x83: {  	_ =	shalt  }
0x84: {  	_ =	shalt  }
0x85: {  	_ =	shalt  }
0x86: {  	_ =	shalt  }
0x87: {  	_ =	shalt  }
.Lfunc_end0:
.L_simem_size_0:
called_computation_lowered:
.L_overlay_start_0:
0x88: {  	s2 =	sld [smem:$0x3FD9]  }
0x89: {  	s3 =	sld [smem:$0x3FFE];
	_ =	sdelay $0x1  }
0x8a: {  	s1 =	srdreg.scid  }
0x8b: {  	s0 =	sand.u32 $0x1, s1  }
0x8c: {  	s18 =	sshll.u32 s0, $0xA;
	s2 =	sadd.s32 s3, s2  }
0x8d: {  	s2 =	sadd.s32 s2, s18  }
0x8e: {  	[smem:$0x3FC6] =	sst s2  }
0x8f: {  	_ = 	snop  }
0x90: {  	s2 =	sld [smem:$0x3FC9]  }
0x91: {  	s19 =	sld [smem:$0x3FC8]  }
0x92: {  	s4 =	sld [smem:$0x3FD0];
	(tm) =	ssettm $0x1  }
0x93: {  	s5 =	sld [smem:$0x3FFB];
	_ =	sdelay $0x3  }
0x94: {  	_ =	strace s5  }
0x95: {  	s5 =	sld [smem:$0x3FFC];
	_ =	sdelay $0x3  }
0x96: {  	_ =	strace s5  }
0x97: {  	s5 =	sld [smem:$0x3FFD];
	_ =	sdelay $0x3  }
0x98: {  	_ =	strace s5  }
0x99: {  	_ =	strace $0x8FFFFFFF  }
0x9a: {  	s20 =	sld [smem:$0x3FDB];
	_ =	sdelay $0x1  }
0x9b: {  	s6 =	simm.s32 $_scs_section_size  }
0x9c: {  	s7 =	simm.s32 $_size__tile_overlayer_lowered;
	s8 =	simm.s32 $_tile_overlayer_lowered  }
0x9d: {  	s23 =	simm.s32 $0x1BFF;
	s22 =	sshll.u32 s8, $0x1;
	s5 =	sadd.s32 s6, s20  }
0x9e: {  	s9 =	simm.s32 $0x0;
	s21 =	sshll.u32 s7, $0x1;
	s7 =	sadd.s32 s22, s5  }
0x9f: {  	[timem:s9], [sflag:s23] =	dma.local [hbm:s7], s21  }
0xa0: {  	_ =	swait.ge [sflag:s23], s21  }
0xa1: {  	s6 =	ssub.s32 $0x0, s21;
	[sflag:s23] =	ssyncset.done $0x0  }
0xa2: {  	[sflag:s23] =	ssyncadd.s32 s6;
	_ =	sdelay $0x1  }
0xa3: {  	s24 =	simm.s32 $0x1B8B  }
0xa4: {  	_ =	swait.ge [sflag:s24], $0x1  }
0xa5: {  	[sflag:s24] =	ssyncset.done $0x0  }
0xa6: {  	s25 =	simm.s32 $0x1B8E;
	[sflag:s24] =	ssyncadd.s32 $0xFFFFFFFF  }
0xa7: {  	s26 =	simm.s32 $execute0_lowered;
	[smem:$0x3FD2] =	sst s25  }
0xa8: {  	s6 =	sshll.u32 s26, $0x1;
	_ =	strace $0x80000046;
	[dreg:$0x1] =	wrdreg $0xFFFFFFFF  }
0xa9: {  	s28 =	simm.s32 $_size_execute0_lowered;
	s5 =	sadd.s32 s5, s6;
	[dreg:$0x0] =	wrdreg $0x0  }
0xaa: {  	s6 =	sshll.u32 s28, $0x1;
	[dreg:$0x2] =	wrdreg s5  }
0xab: {  	[dreg:$0x3] =	wrdreg s6  }
0xac: {  	[dreg:$0x4] =	wrdreg $0xC0  }
0xad: {  	_ =	task [dreg:s9], $0x5FFFF  }
0xae: {  	[dreg:$0x1] =	wrdreg $0xFFFFFFFF  }
0xaf: {  	[dreg:$0x0] =	wrdreg $0x60  }
0xb0: {  	[dreg:$0x2] =	wrdreg s2  }
0xb1: {  	[dreg:$0x3] =	wrdreg s19  }
0xb2: {  	[dreg:$0x4] =	wrdreg s4  }
0xb3: {  	[dreg:$0x5] =	wrdreg $0x9  }
0xb4: {  	_ =	task.clear_ibuf [dreg:s9], $0x6FFFF;
	_ =	strace $0x90000046  }
0xb5: {  	s29 =	simm.s32 $0x9;
	_ =	strace $0x80000048  }
0xb6: {  	_ =	swait.ge [sflag:s29], $0x1  }
0xb7: {  	[sflag:s29] =	ssyncadd.s32 $0xFFFFFFFF  }
0xb8: {  	_ =	strace $0x90000048  }
0xb9: {  	_ =	sfence  }
0xba: {  	s30 =	sld [smem:$0x0];
	_ =	sdelay $0x2  }
0xbb: {  	s31 =	sshll.u32 s1, $0xD;
	s1 =	sshrl.u32 s1, $0x2  }
0xbc: {  	s3 =	sand.u32 $0x4000, s31;
	s1 =	sadd.s32 s1, s30  }
0xbd: {  	s0 =	sor.u32 s3, s0;
	s1 =	sshll.u32 s1, $0x11  }
0xbe: {  	s0 =	sor.u32 s1, s0  }
0xbf: {  	s0 =	sadd.s32 $0x8F2B, s0  }
0xc0: {  	[sflag:s0] =	ssyncadd.remote.s32 $0x1  }
0xc1: {  	_ =	sfence.sel $0xFFFF  }
0xc2: {  	[dreg:$0x0] =	wrdreg $0xFFFFFFFF;
	(pc) =	sbr.abs _section_cstart, $3  }
0xc3: {  	[dreg:$0x1] =	wrdreg $0xFFFFFFFF  }
0xc4: {  	_ =	task.clear_ibuf [dreg:s9], $0x2FFFF;
	_ =	strace $0x9FFFFFFF  }
0xc5: {  	(tm) =	ssettm $0x7FFFFFFF  }
tec
execute0_lowered:
.L_overlay_start_1:
0x0: {  	(tag) =	ssettag $0x1  }
0x1: {  	s2 =	rddreg [dreg:$0x0]  }
0x2: {  	s3 =	rddreg [dreg:$0x1]  }
0x3: {  	s0 =	srdreg.scid;
	s4 =	rddreg [dreg:$0x2]  }
0x4: {  	s1 =	stileid.u32;
	s5 =	simm.s32 $0x0;
	s13 =	simm.s32 $0x5  }
0x5: {  	s14 =	simm.s32 $0x800;
	s15 =	simm.s32 $0x4800;
	s16 =	simm.s32 $0x1  }
0x6: {  	s17 =	simm.s32 $0x8800;
	s18 =	simm.s32 $0x2;
	s19 =	simm.s32 $0xC800  }
0x7: {  	s20 =	simm.s32 $0x3;
	s21 =	simm.s32 $0x4;
	s22 =	simm.s32 $0x0  }
0x8: {  	s6 =	sand.u32 $0x1, s0;
	s0 =	rddreg [dreg:$0x3];
	s7 =	sshll.u32 s1, $0xA  }
.Ltmp0:
0x9: {  	s8 =	sshll.u32 s6, $0x9;
	s9 =	ssub.s32 $0x2, s6;
	(pc) =	sbr.rel .LBB2_1-.Ltmp0, $4  }
0xa: {  	[smem:$0x7FF] =	sst s5;
	s6 =	sor.u32 s8, s7;
	s31 =	sshrl.u32 s9, $0x1  }
0xb: {  	_ =	strace $0x80000047;
	s10 =	sshll.u32 s6, $0x8;
	s12 =	ssub.s32 s9, s31  }
0xc: {  	s11 =	sor.u32 $0x18, s6;
	s7 =	sadd.s32 s2, s10;
	s9 =	sadd.s32 s4, s10  }
0xd: {  	s10 =	sor.u32 $0x10, s6;
	s12 =	smax.u32 s12, $0x1;
	s8 =	sadd.s32 $0x800, s7  }
.LBB2_8:
0xe: {  	s22 =	sadd.s32 $0x1, s22  }
0xf: {  	_ =	swait.ge [sflag:s20], $0x4000;
	p0 =	sne.s32 s22, s12  }
.Ltmp1:
0x10: {  	[sflag:s20] =	ssyncset.done $0x0;
	(pc) =	sbr.rel @!p0 .LBB2_9-.Ltmp1, $4  }
0x11: {  	[sflag:s20] =	ssyncadd.s32 $0xFFFFC000  }
0x12: {  	_ =	swait.ge [sflag:s21], $0x4000  }
0x13: {  	[sflag:s21] =	ssyncset.done $0x0  }
0x14: {  	[sflag:s21] =	ssyncadd.s32 $0xFFFFC000  }
.LBB2_1:
0x15: {  	[tilespmem:s5], [sflag:$0x5] =	stream.linear.gather [hbm4b:s3+s5], $0x800, $0x38;
	[tilespmem:$0x10800] =	vst v63  }
0x16: {  	_ =	swait.ge [sflag:s13], $0x800  }
0x17: {  	[sflag:s13] =	ssyncset.done $0x0  }
0x18: {  	[sflag:s13] =	ssyncadd.s32 $0xFFFFF800  }
0x19: {  	[tilespmem:s14], [sflag:$0x1] =	stream.linear.gather [hbm4b:s7+s5], $0x4000, $0x38;
	[tilespmem:$0x10800] =	vst v63  }
0x1a: {  	s23 =	simm.s32 $0x0  }
0x1b: {  	[tilespmem:s15], [sflag:$0x2] =	stream.linear.gather [hbm4b:s8+s5], $0x4000, $0x38;
	[tilespmem:$0x10800] =	vst v63  }
.LBB2_2:
0x1c: {  	_ =	swait.ge [sflag:s16], $0x4000  }
0x1d: {  	p0 =	seq.s32 s23, $0x0;
	[sflag:s16] =	ssyncset.done $0x0  }
0x1e: {  	s24 =	simm.s32 @!p0 $0x3;
	[sflag:s16] =	ssyncadd.s32 $0xFFFFC000  }
0x1f: {  	_ =	swait.ge @!p0 [sflag:s24], $0x4000  }
0x20: {  	[sflag:s24] =	ssyncset.done @!p0 $0x0  }
0x21: {  	s31 =	simm.s32 $0x40;
	[sflag:s24] =	ssyncadd.s32 @!p0 $0xFFFFC000  }
0x22: {  	v0 =	vld [tilespmem:s31+$0x30]  }
0x23: {  	v1 =	vld [tilespmem:s31+$0xFFFFFFD0]  }
0x24: {  	v6 =	vld [tilespmem:s31+$0xFFFFFFF0]  }
0x25: {  	v3 =	vld [tilespmem:s31+$0xFFFFFFE0]  }
0x26: {  	v5 =	vld [tilespmem:s31+$0xFFFFFFC0]  }
0x27: {  	v2 =	vshll.u32 v0, $0x3  }
0x28: {  	v0 =	vand.u32 $0x7F, v0;
	v2 =	vand.u32 $0xFFFFFC00, v2  }
0x29: {  	v13 =	vshll.u32 v6, $0x3;
	v4 =	vor.u32 v0, v2;
	v0 =	vshll.u32 v1, $0x3  }
0x2a: {  	v6 =	vand.u32 $0x7F, v6;
	v2 =	vand.u32 $0xFFFFFC00, v0;
	v0 =	vshll.u32 v3, $0x3  }
0x2b: {  	v8 =	vld [tilespmem:s31+$0x10];
	v1 =	vand.u32 $0x7F, v1;
	v9 =	vand.u32 $0xFFFFFC00, v0;
	v0 =	vshll.u32 v5, $0x3  }
0x2c: {  	v7 =	vld [tilespmem:s31+$0x0];
	v5 =	vand.u32 $0x7F, v5;
	v2 =	vor.u32 v1, v2;
	v0 =	vand.u32 $0xFFFFFC00, v0  }
0x2d: {  	v3 =	vand.u32 $0x7F, v3;
	v0 =	vor.u32 v5, v0;
	v5 =	vand.u32 $0xFFFFFC00, v13  }
0x2e: {  	v1 =	vor.u32 v3, v9;
	v10 =	vld.idx.msk [tilespmem:v4+s14+$0x0], $0xffff;
	v3 =	vor.u32 v6, v5  }
0x2f: {  	v12 =	vld [tilespmem:s31+$0x20];
	v11 =	vor.u32 $0x80, v4  }
0x30: {  	v9 =	vshll.u32 v8, $0x3  }
0x31: {  	v13 =	vshll.u32 v7, $0x3;
	v5 =	vand.u32 $0xFFFFFC00, v9;
	v9 =	vld.idx.msk [tilespmem:v2+s14+$0x0], $0xffff  }
0x32: {  	s25 =	simm.s32 $0x8A00;
	v15 =	vor.u32 $0x80, v2;
	v7 =	vand.u32 $0x7F, v7;
	v13 =	vand.u32 $0xFFFFFC00, v13  }
0x33: {  	v6 =	vand.u32 $0x7F, v8;
	[tilespmem:s25+$0xFFFFFE70] =	vst v10;
	v10 =	vor.u32 v7, v13;
	v14 =	vld.idx.msk [tilespmem:v3+s14+$0x0], $0xffff  }
0x34: {  	v8 =	vshll.u32 v12, $0x3;
	v7 =	vld.idx.msk [tilespmem:v11+s14+$0x0], $0xffff;
	v11 =	vor.u32 v6, v5  }
0x35: {  	v13 =	vor.u32 $0x100, v4;
	v5 =	vld.idx.msk [tilespmem:v0+s14+$0x0], $0xffff;
	v6 =	vand.u32 $0xFFFFFC00, v8;
	v8 =	vand.u32 $0x7F, v12  }
0x36: {  	v12 =	vor.u32 v8, v6;
	v6 =	vld.idx.msk [tilespmem:v1+s14+$0x0], $0xffff;
	v8 =	vor.u32 $0x80, v0;
	[tilespmem:s25+$0xFFFFFE10] =	vst v9  }
0x37: {  	v15 =	vld.idx.msk [tilespmem:v15+s14+$0x0], $0xffff  }
0x38: {  	v17 =	vor.u32 $0x80, v1;
	v16 =	vld.idx.msk [tilespmem:v10+s14+$0x0], $0xffff  }
0x39: {  	v18 =	vld.idx.msk [tilespmem:v11+s14+$0x0], $0xffff;
	[tilespmem:s25+$0xFFFFFEF0] =	vst v7;
	v7 =	vor.u32 $0x80, v3  }
0x3a: {  	[tilespmem:s25+$0xFFFFFE00] =	vst v5;
	v5 =	vld.idx.msk [tilespmem:v13+s14+$0x0], $0xffff;
	v13 =	vor.u32 $0x80, v10  }
0x3b: {  	v19 =	vor.u32 $0x80, v11;
	[tilespmem:s25+$0xFFFFFE30] =	vst v14;
	v8 =	vld.idx.msk [tilespmem:v8+s14+$0x0], $0xffff  }
0x3c: {  	v9 =	vld.idx.msk [tilespmem:v12+s14+$0x0], $0xffff;
	[tilespmem:s25+$0xFFFFFE20] =	vst v6;
	v6 =	vor.u32 $0x180, v4  }
0x3d: {  	v14 =	vor.u32 $0x80, v12;
	v17 =	vld.idx.msk [tilespmem:v17+s14+$0x0], $0xffff;
	[tilespmem:s25+$0xFFFFFE40] =	vst v16  }
0x3e: {  	v16 =	vor.u32 $0x100, v0;
	v7 =	vld.idx.msk [tilespmem:v7+s14+$0x0], $0xffff;
	[tilespmem:s25+$0xFFFFFE50] =	vst v18  }
0x3f: {  	v18 =	vor.u32 $0x100, v2;
	v13 =	vld.idx.msk [tilespmem:v13+s14+$0x0], $0xffff;
	[tilespmem:s25+$0xFFFFFF70] =	vst v5  }
0x40: {  	v5 =	vor.u32 $0x100, v1;
	[tilespmem:s25+$0xFFFFFE80] =	vst v8;
	v8 =	vld.idx.msk [tilespmem:v19+s14+$0x0], $0xffff  }
0x41: {  	[tilespmem:s25+$0xFFFFFE60] =	vst v9;
	v9 =	vor.u32 $0x100, v3;
	v6 =	vld.idx.msk [tilespmem:v6+s14+$0x0], $0xffff  }
0x42: {  	[tilespmem:s25+$0xFFFFFE90] =	vst v15;
	v19 =	vor.u32 $0x100, v10;
	v14 =	vld.idx.msk [tilespmem:v14+s14+$0x0], $0xffff  }
0x43: {  	[tilespmem:s25+$0xFFFFFEA0] =	vst v17;
	v17 =	vor.u32 $0x100, v11;
	v16 =	vld.idx.msk [tilespmem:v16+s14+$0x0], $0xffff  }
0x44: {  	v15 =	vor.u32 $0x200, v4;
	v18 =	vld.idx.msk [tilespmem:v18+s14+$0x0], $0xffff;
	[tilespmem:s25+$0xFFFFFEB0] =	vst v7  }
0x45: {  	v7 =	vor.u32 $0x100, v12;
	v5 =	vld.idx.msk [tilespmem:v5+s14+$0x0], $0xffff;
	[tilespmem:s25+$0xFFFFFEC0] =	vst v13  }
0x46: {  	v13 =	vor.u32 $0x180, v0;
	v9 =	vld.idx.msk [tilespmem:v9+s14+$0x0], $0xffff;
	[tilespmem:s25+$0xFFFFFED0] =	vst v8  }
0x47: {  	[tilespmem:s25+$0xFFFFFFF0] =	vst v6;
	v6 =	vor.u32 $0x180, v2;
	v19 =	vld.idx.msk [tilespmem:v19+s14+$0x0], $0xffff  }
0x48: {  	[tilespmem:s25+$0xFFFFFEE0] =	vst v14;
	v14 =	vld.idx.msk [tilespmem:v17+s14+$0x0], $0xffff;
	v17 =	vor.u32 $0x180, v3  }
0x49: {  	v8 =	vld.idx.msk [tilespmem:v15+s14+$0x0], $0xffff;
	v15 =	vor.u32 $0x180, v1;
	[tilespmem:s25+$0xFFFFFF00] =	vst v16  }
0x4a: {  	v16 =	vor.u32 $0x280, v4;
	[tilespmem:s25+$0xFFFFFF10] =	vst v18;
	v7 =	vld.idx.msk [tilespmem:v7+s14+$0x0], $0xffff  }
0x4b: {  	v18 =	vor.u32 $0x180, v10;
	v13 =	vld.idx.msk [tilespmem:v13+s14+$0x0], $0xffff;
	[tilespmem:s25+$0xFFFFFF20] =	vst v5  }
0x4c: {  	v5 =	vor.u32 $0x180, v11;
	[tilespmem:s25+$0xFFFFFF30] =	vst v9;
	v6 =	vld.idx.msk [tilespmem:v6+s14+$0x0], $0xffff  }
0x4d: {  	v9 =	vor.u32 $0x180, v12;
	[tilespmem:s25+$0xFFFFFF40] =	vst v19;
	v17 =	vld.idx.msk [tilespmem:v17+s14+$0x0], $0xffff  }
0x4e: {  	v15 =	vld.idx.msk [tilespmem:v15+s14+$0x0], $0xffff;
	[tilespmem:s25+$0x70] =	vst v8;
	v8 =	vor.u32 $0x200, v0  }
0x4f: {  	v19 =	vor.u32 $0x200, v2;
	[tilespmem:s25+$0xFFFFFF50] =	vst v14;
	v16 =	vld.idx.msk [tilespmem:v16+s14+$0x0], $0xffff  }
0x50: {  	v14 =	vld.idx.msk [tilespmem:v18+s14+$0x0], $0xffff;
	[tilespmem:s25+$0xFFFFFF60] =	vst v7;
	v7 =	vor.u32 $0x300, v4  }
0x51: {  	v18 =	vor.u32 $0x200, v1;
	[tilespmem:s25+$0xFFFFFF80] =	vst v13;
	v5 =	vld.idx.msk [tilespmem:v5+s14+$0x0], $0xffff  }
0x52: {  	v13 =	vor.u32 $0x200, v3;
	[tilespmem:s25+$0xFFFFFF90] =	vst v6;
	v6 =	vld.idx.msk [tilespmem:v9+s14+$0x0], $0xffff  }
0x53: {  	v9 =	vor.u32 $0x200, v10;
	v8 =	vld.idx.msk [tilespmem:v8+s14+$0x0], $0xffff;
	[tilespmem:s25+$0xFFFFFFA0] =	vst v15  }
0x54: {  	v15 =	vor.u32 $0x200, v11;
	v19 =	vld.idx.msk [tilespmem:v19+s14+$0x0], $0xffff;
	[tilespmem:s25+$0xF0] =	vst v16  }
0x55: {  	[tilespmem:s25+$0xFFFFFFB0] =	vst v17;
	v16 =	vor.u32 $0x200, v12;
	v7 =	vld.idx.msk [tilespmem:v7+s14+$0x0], $0xffff  }
0x56: {  	v17 =	vor.u32 $0x280, v0;
	v18 =	vld.idx.msk [tilespmem:v18+s14+$0x0], $0xffff;
	[tilespmem:s25+$0xFFFFFFC0] =	vst v14  }
0x57: {  	v4 =	vor.u32 $0x380, v4;
	v13 =	vld.idx.msk [tilespmem:v13+s14+$0x0], $0xffff;
	[tilespmem:s25+$0xFFFFFFD0] =	vst v5  }
0x58: {  	v5 =	vor.u32 $0x280, v2;
	v9 =	vld.idx.msk [tilespmem:v9+s14+$0x0], $0xffff;
	[tilespmem:s25+$0xFFFFFFE0] =	vst v6  }
0x59: {  	v6 =	vor.u32 $0x280, v1;
	[tilespmem:s25+$0x0] =	vst v8;
	v8 =	vld.idx.msk [tilespmem:v15+s14+$0x0], $0xffff  }
0x5a: {  	v14 =	vor.u32 $0x280, v3;
	[tilespmem:s25+$0x10] =	vst v19;
	v15 =	vld.idx.msk [tilespmem:v16+s14+$0x0], $0xffff  }
0x5b: {  	v16 =	vor.u32 $0x280, v10;
	v17 =	vld.idx.msk [tilespmem:v17+s14+$0x0], $0xffff;
	[tilespmem:s25+$0x170] =	vst v7  }
0x5c: {  	v7 =	vor.u32 $0x280, v11;
	[tilespmem:s25+$0x20] =	vst v18;
	v4 =	vld.idx.msk [tilespmem:v4+s14+$0x0], $0xffff  }
0x5d: {  	v18 =	vor.u32 $0x280, v12;
	v5 =	vld.idx.msk [tilespmem:v5+s14+$0x0], $0xffff;
	[tilespmem:s25+$0x30] =	vst v13  }
0x5e: {  	v13 =	vor.u32 $0x300, v0;
	v6 =	vld.idx.msk [tilespmem:v6+s14+$0x0], $0xffff;
	[tilespmem:s25+$0x40] =	vst v9  }
0x5f: {  	v9 =	vor.u32 $0x300, v2;
	v19 =	vld.idx.msk [tilespmem:v14+s14+$0x0], $0xffff;
	[tilespmem:s25+$0x50] =	vst v8  }
0x60: {  	v20 =	vor.u32 $0x300, v1;
	v21 =	vld.idx.msk [tilespmem:v16+s14+$0x0], $0xffff;
	[tilespmem:s25+$0x60] =	vst v15  }
0x61: {  	v22 =	vor.u32 $0x300, v3;
	[tilespmem:s25+$0x80] =	vst v17;
	v17 =	vld.idx.msk [tilespmem:v7+s14+$0x0], $0xffff  }
0x62: {  	v23 =	vor.u32 $0x300, v10;
	v15 =	vld.idx.msk [tilespmem:v18+s14+$0x0], $0xffff;
	[tilespmem:s25+$0x1F0] =	vst v4  }
0x63: {  	v14 =	vld.idx.msk [tilespmem:v13+s14+$0x0], $0xffff;
	[tilespmem:s25+$0x90] =	vst v5  }
0x64: {  	v13 =	vld.idx.msk [tilespmem:v9+s14+$0x0], $0xffff;
	[tilespmem:s25+$0xA0] =	vst v6  }
0x65: {  	v8 =	vor.u32 $0x300, v11;
	v7 =	vor.u32 $0x380, v0;
	v0 =	vor.u32 $0x380, v12;
	[tilespmem:s25+$0xB0] =	vst v19;
	v16 =	vld.idx.msk [tilespmem:v20+s14+$0x0], $0xffff  }
0x66: {  	s28 =	simm.s32 $0x0;
	v5 =	vor.u32 $0x380, v1;
	v4 =	vor.u32 $0x380, v3;
	v1 =	vor.u32 $0x380, v11;
	v3 =	vld.idx.msk [tilespmem:v22+s14+$0x0], $0xffff;
	[tilespmem:s25+$0xC0] =	vst v21  }
0x67: {  	s29 =	simm.s32 $0xC0;
	s26 =	simm.s32 $0x8A00;
	s24 =	sshll.u32 s23, $0x4;
	v6 =	vor.u32 $0x380, v2;
	v9 =	vor.u32 $0x300, v12;
	v2 =	vor.u32 $0x380, v10;
	v10 =	vld.idx.msk [tilespmem:v23+s14+$0x0], $0xffff;
	[tilespmem:s25+$0xD0] =	vst v17  }
.LBB2_3:
0x68: {  	v11 =	vld [tilespmem:s29+$0x30];
	s28 =	sadd.s32 $0x8, s28;
	[tilespmem:s25+$0xE0] =	vst v15  }
0x69: {  	v12 =	vld [tilespmem:s29+$0xFFFFFFD0];
	p1 =	slt.u32 s28, $0x78;
	[tilespmem:s25+$0x100] =	vst v14  }
0x6a: {  	v14 =	vld [tilespmem:s29+$0xFFFFFFE0];
	[tilespmem:s25+$0x110] =	vst v13  }
0x6b: {  	v13 =	vld [tilespmem:s29+$0xFFFFFFF0];
	[tilespmem:s25+$0x120] =	vst v16  }
0x6c: {  	v15 =	vld [tilespmem:s29+$0x0];
	[tilespmem:s25+$0x130] =	vst v3  }
0x6d: {  	v16 =	vld [tilespmem:s29+$0x10];
	v3 =	vshll.u32 v11, $0x3;
	[tilespmem:s25+$0x140] =	vst v10  }
0x6e: {  	v11 =	vand.u32 $0x7F, v11;
	v10 =	vshll.u32 v12, $0x3;
	v17 =	vld [tilespmem:s29+$0x20];
	v3 =	vand.u32 $0xFFFFFC00, v3  }
0x6f: {  	v18 =	vld [tilespmem:s29+$0xFFFFFFC0];
	v10 =	vand.u32 $0xFFFFFC00, v10;
	v19 =	vshll.u32 v14, $0x3;
	v3 =	vor.u32 v11, v3  }
0x70: {  	v11 =	vand.u32 $0x7F, v12;
	v12 =	vand.u32 $0xFFFFFC00, v19;
	v19 =	vshll.u32 v13, $0x3;
	v8 =	vld.idx.msk [tilespmem:v8+s14+$0x0], $0xffff  }
0x71: {  	v14 =	vand.u32 $0x7F, v14;
	v19 =	vand.u32 $0xFFFFFC00, v19;
	v20 =	vshll.u32 v15, $0x3;
	v9 =	vld.idx.msk [tilespmem:v9+s14+$0x0], $0xffff  }
0x72: {  	v13 =	vand.u32 $0x7F, v13;
	v20 =	vand.u32 $0xFFFFFC00, v20;
	v21 =	vshll.u32 v16, $0x3;
	v7 =	vld.idx.msk [tilespmem:v7+s14+$0x0], $0xffff  }
0x73: {  	v15 =	vand.u32 $0x7F, v15;
	v21 =	vand.u32 $0xFFFFFC00, v21;
	v22 =	vshll.u32 v17, $0x3;
	v6 =	vld.idx.msk [tilespmem:v6+s14+$0x0], $0xffff  }
0x74: {  	v23 =	vand.u32 $0x7F, v18;
	v18 =	vshll.u32 v18, $0x3;
	v22 =	vand.u32 $0xFFFFFC00, v22;
	v24 =	vld.idx.msk [tilespmem:v3+s14+$0x0], $0xffff  }
0x75: {  	v16 =	vand.u32 $0x7F, v16;
	v17 =	vand.u32 $0x7F, v17;
	v18 =	vand.u32 $0xFFFFFC00, v18;
	v5 =	vld.idx.msk [tilespmem:v5+s14+$0x0], $0xffff  }
0x76: {  	v25 =	vor.u32 v11, v10;
	v10 =	vor.u32 $0x80, v3;
	v23 =	vor.u32 v23, v18;
	v4 =	vld.idx.msk [tilespmem:v4+s14+$0x0], $0xffff;
	[tilespmem:s25+$0x150] =	vst v8  }
0x77: {  	v26 =	vor.u32 v14, v12;
	v27 =	vor.u32 v13, v19;
	v28 =	vor.u32 v15, v20;
	[tilespmem:s25+$0x160] =	vst v9  }
0x78: {  	v21 =	vor.u32 v16, v21;
	v22 =	vor.u32 v17, v22;
	v8 =	vor.u32 $0x80, v23;
	[tilespmem:s25+$0x180] =	vst v7;
	v2 =	vld.idx.msk [tilespmem:v2+s14+$0x0], $0xffff  }
0x79: {  	v29 =	vor.u32 $0x80, v27;
	v9 =	vor.u32 $0x80, v26;
	v7 =	vor.u32 $0x80, v25;
	s25 =	sadd.s32 $0x400, s25;
	[tilespmem:s26+$0x190] =	vst v6;
	v1 =	vld.idx.msk [tilespmem:v1+s14+$0x0], $0xffff  }
0x7a: {  	v30 =	vor.u32 $0x80, v28;
	v31 =	vor.u32 $0x80, v21;
	v32 =	vor.u32 $0x80, v22;
	[tilespmem:s25+$0xFFFFFE70] =	vst v24;
	v0 =	vld.idx.msk [tilespmem:v0+s14+$0x0], $0xffff  }
0x7b: {  	v33 =	vor.u32 $0x100, v25;
	v34 =	vor.u32 $0x100, v26;
	v24 =	vor.u32 $0x100, v23;
	v6 =	vld.idx.msk [tilespmem:v10+s14+$0x0], $0xffff;
	[tilespmem:s26+$0x1A0] =	vst v5  }
0x7c: {  	v35 =	vor.u32 $0x100, v27;
	v36 =	vor.u32 $0x100, v28;
	v37 =	vor.u32 $0x100, v21;
	v5 =	vld.idx.msk [tilespmem:v23+s14+$0x0], $0xffff;
	[tilespmem:s26+$0x1B0] =	vst v4  }
0x7d: {  	v39 =	vor.u32 $0x100, v22;
	v38 =	vor.u32 $0x180, v23;
	v10 =	vor.u32 $0x100, v3;
	v4 =	vld.idx.msk [tilespmem:v25+s14+$0x0], $0xffff  }
0x7e: {  	v40 =	vor.u32 $0x180, v25;
	v41 =	vor.u32 $0x180, v26;
	v42 =	vor.u32 $0x180, v27;
	v11 =	vld.idx.msk [tilespmem:v26+s14+$0x0], $0xffff;
	[tilespmem:s26+$0x1C0] =	vst v2  }
0x7f: {  	v43 =	vor.u32 $0x180, v28;
	v44 =	vor.u32 $0x180, v21;
	v45 =	vor.u32 $0x180, v22;
	v2 =	vld.idx.msk [tilespmem:v27+s14+$0x0], $0xffff;
	[tilespmem:s26+$0x1D0] =	vst v1  }
0x80: {  	v47 =	vor.u32 $0x200, v25;
	v48 =	vor.u32 $0x200, v26;
	v46 =	vor.u32 $0x200, v23;
	v1 =	vld.idx.msk [tilespmem:v28+s14+$0x0], $0xffff;
	[tilespmem:s26+$0x1E0] =	vst v0;
	s26 =	smov.u32 s25  }
0x81: {  	v49 =	vor.u32 $0x200, v27;
	v50 =	vor.u32 $0x200, v28;
	v51 =	vor.u32 $0x200, v21;
	v0 =	vld.idx.msk [tilespmem:v21+s14+$0x0], $0xffff;
	[tilespmem:s25+$0xFFFFFEF0] =	vst v6  }
0x82: {  	v18 =	vor.u32 $0x280, v25;
	v53 =	vor.u32 $0x200, v22;
	v52 =	vor.u32 $0x280, v23;
	[tilespmem:s25+$0xFFFFFE00] =	vst v5;
	v54 =	vld.idx.msk [tilespmem:v10+s14+$0x0], $0xffff  }
0x83: {  	v20 =	vor.u32 $0x280, v26;
	v19 =	vor.u32 $0x280, v27;
	v15 =	vor.u32 $0x280, v28;
	[tilespmem:s25+$0xFFFFFE10] =	vst v4;
	v55 =	vld.idx.msk [tilespmem:v22+s14+$0x0], $0xffff  }
0x84: {  	v57 =	vor.u32 $0x180, v3;
	v17 =	vor.u32 $0x280, v21;
	v16 =	vor.u32 $0x280, v22;
	v56 =	vld.idx.msk [tilespmem:v8+s14+$0x0], $0xffff;
	[tilespmem:s25+$0xFFFFFE20] =	vst v11  }
0x85: {  	v13 =	vor.u32 $0x300, v25;
	v14 =	vor.u32 $0x300, v23;
	v10 =	vor.u32 $0x300, v26;
	v58 =	vld.idx.msk [tilespmem:v7+s14+$0x0], $0xffff;
	[tilespmem:s25+$0xFFFFFE30] =	vst v2  }
0x86: {  	v12 =	vor.u32 $0x300, v27;
	v11 =	vor.u32 $0x300, v28;
	v8 =	vor.u32 $0x300, v21;
	v59 =	vld.idx.msk [tilespmem:v9+s14+$0x0], $0xffff;
	[tilespmem:s25+$0xFFFFFE40] =	vst v1  }
0x87: {  	v6 =	vor.u32 $0x380, v25;
	v7 =	vor.u32 $0x380, v23;
	v9 =	vor.u32 $0x300, v22;
	v23 =	vld.idx.msk [tilespmem:v29+s14+$0x0], $0xffff;
	[tilespmem:s25+$0xFFFFFE50] =	vst v0  }
0x88: {  	v5 =	vor.u32 $0x380, v26;
	v4 =	vor.u32 $0x380, v27;
	v2 =	vor.u32 $0x380, v28;
	v25 =	vld.idx.msk [tilespmem:v30+s14+$0x0], $0xffff;
	[tilespmem:s25+$0xFFFFFF70] =	vst v54  }
0x89: {  	v1 =	vor.u32 $0x380, v21;
	v0 =	vor.u32 $0x380, v22;
	[tilespmem:s25+$0xFFFFFE60] =	vst v55;
	v21 =	vld.idx.msk [tilespmem:v57+s14+$0x0], $0xffff  }
0x8a: {  	[tilespmem:s25+$0xFFFFFE80] =	vst v56;
	v22 =	vld.idx.msk [tilespmem:v31+s14+$0x0], $0xffff  }
0x8b: {  	v27 =	vor.u32 $0x200, v3;
	[tilespmem:s25+$0xFFFFFE90] =	vst v58;
	v26 =	vld.idx.msk [tilespmem:v32+s14+$0x0], $0xffff  }
0x8c: {  	v24 =	vld.idx.msk [tilespmem:v24+s14+$0x0], $0xffff;
	[tilespmem:s25+$0xFFFFFEA0] =	vst v59  }
0x8d: {  	v28 =	vld.idx.msk [tilespmem:v33+s14+$0x0], $0xffff;
	[tilespmem:s25+$0xFFFFFEB0] =	vst v23  }
0x8e: {  	v23 =	vld.idx.msk [tilespmem:v34+s14+$0x0], $0xffff;
	[tilespmem:s25+$0xFFFFFEC0] =	vst v25  }
0x8f: {  	v25 =	vld.idx.msk [tilespmem:v35+s14+$0x0], $0xffff;
	[tilespmem:s25+$0xFFFFFFF0] =	vst v21  }
0x90: {  	[tilespmem:s25+$0xFFFFFED0] =	vst v22;
	v21 =	vld.idx.msk [tilespmem:v27+s14+$0x0], $0xffff  }
0x91: {  	v22 =	vld.idx.msk [tilespmem:v36+s14+$0x0], $0xffff;
	[tilespmem:s25+$0xFFFFFEE0] =	vst v26  }
0x92: {  	v26 =	vor.u32 $0x280, v3;
	[tilespmem:s25+$0xFFFFFF00] =	vst v24;
	v24 =	vld.idx.msk [tilespmem:v37+s14+$0x0], $0xffff  }
0x93: {  	[tilespmem:s25+$0xFFFFFF10] =	vst v28;
	v27 =	vld.idx.msk [tilespmem:v39+s14+$0x0], $0xffff  }
0x94: {  	v28 =	vld.idx.msk [tilespmem:v38+s14+$0x0], $0xffff;
	[tilespmem:s25+$0xFFFFFF20] =	vst v23  }
0x95: {  	v23 =	vld.idx.msk [tilespmem:v40+s14+$0x0], $0xffff;
	[tilespmem:s25+$0xFFFFFF30] =	vst v25  }
0x96: {  	v25 =	vld.idx.msk [tilespmem:v41+s14+$0x0], $0xffff;
	[tilespmem:s25+$0x70] =	vst v21  }
0x97: {  	[tilespmem:s25+$0xFFFFFF40] =	vst v22;
	v21 =	vld.idx.msk [tilespmem:v26+s14+$0x0], $0xffff  }
0x98: {  	v22 =	vld.idx.msk [tilespmem:v42+s14+$0x0], $0xffff;
	[tilespmem:s25+$0xFFFFFF50] =	vst v24  }
0x99: {  	v26 =	vor.u32 $0x300, v3;
	v24 =	vld.idx.msk [tilespmem:v43+s14+$0x0], $0xffff;
	[tilespmem:s25+$0xFFFFFF60] =	vst v27  }
0x9a: {  	[tilespmem:s25+$0xFFFFFF80] =	vst v28;
	v27 =	vld.idx.msk [tilespmem:v44+s14+$0x0], $0xffff  }
0x9b: {  	[tilespmem:s25+$0xFFFFFF90] =	vst v23;
	v23 =	vld.idx.msk [tilespmem:v45+s14+$0x0], $0xffff  }
0x9c: {  	v28 =	vld.idx.msk [tilespmem:v46+s14+$0x0], $0xffff;
	[tilespmem:s25+$0xFFFFFFA0] =	vst v25  }
0x9d: {  	v25 =	vld.idx.msk [tilespmem:v47+s14+$0x0], $0xffff;
	[tilespmem:s25+$0xF0] =	vst v21  }
0x9e: {  	[tilespmem:s25+$0xFFFFFFB0] =	vst v22;
	v21 =	vld.idx.msk [tilespmem:v26+s14+$0x0], $0xffff  }
0x9f: {  	v22 =	vld.idx.msk [tilespmem:v48+s14+$0x0], $0xffff;
	[tilespmem:s25+$0xFFFFFFC0] =	vst v24  }
0xa0: {  	v3 =	vor.u32 $0x380, v3;
	v24 =	vld.idx.msk [tilespmem:v49+s14+$0x0], $0xffff;
	[tilespmem:s25+$0xFFFFFFD0] =	vst v27  }
0xa1: {  	v26 =	vld.idx.msk [tilespmem:v50+s14+$0x0], $0xffff;
	[tilespmem:s25+$0xFFFFFFE0] =	vst v23  }
0xa2: {  	[tilespmem:s25+$0x0] =	vst v28;
	v23 =	vld.idx.msk [tilespmem:v51+s14+$0x0], $0xffff  }
0xa3: {  	[tilespmem:s25+$0x10] =	vst v25;
	v25 =	vld.idx.msk [tilespmem:v53+s14+$0x0], $0xffff  }
0xa4: {  	v27 =	vld.idx.msk [tilespmem:v52+s14+$0x0], $0xffff;
	[tilespmem:s25+$0x170] =	vst v21  }
0xa5: {  	[tilespmem:s25+$0x20] =	vst v22;
	v3 =	vld.idx.msk [tilespmem:v3+s14+$0x0], $0xffff  }
0xa6: {  	v18 =	vld.idx.msk [tilespmem:v18+s14+$0x0], $0xffff;
	[tilespmem:s25+$0x30] =	vst v24  }
0xa7: {  	v20 =	vld.idx.msk [tilespmem:v20+s14+$0x0], $0xffff;
	[tilespmem:s25+$0x40] =	vst v26  }
0xa8: {  	v19 =	vld.idx.msk [tilespmem:v19+s14+$0x0], $0xffff;
	[tilespmem:s25+$0x50] =	vst v23  }
0xa9: {  	v21 =	vld.idx.msk [tilespmem:v15+s14+$0x0], $0xffff;
	[tilespmem:s25+$0x60] =	vst v25  }
0xaa: {  	[tilespmem:s25+$0x80] =	vst v27;
	v17 =	vld.idx.msk [tilespmem:v17+s14+$0x0], $0xffff  }
0xab: {  	v15 =	vld.idx.msk [tilespmem:v16+s14+$0x0], $0xffff;
	[tilespmem:s25+$0x1F0] =	vst v3  }
.Ltmp2:
0xac: {  	v14 =	vld.idx.msk [tilespmem:v14+s14+$0x0], $0xffff;
	[tilespmem:s25+$0x90] =	vst v18;
	(pc) =	sbr.rel @p1 .LBB2_3-.Ltmp2, $4  }
0xad: {  	v13 =	vld.idx.msk [tilespmem:v13+s14+$0x0], $0xffff;
	[tilespmem:s25+$0xA0] =	vst v20  }
0xae: {  	v16 =	vld.idx.msk [tilespmem:v10+s14+$0x0], $0xffff;
	[tilespmem:s25+$0xB0] =	vst v19  }
0xaf: {  	v3 =	vld.idx.msk [tilespmem:v12+s14+$0x0], $0xffff;
	[tilespmem:s25+$0xC0] =	vst v21  }
0xb0: {  	s29 =	sadd.s32 $0x80, s29;
	v10 =	vld.idx.msk [tilespmem:v11+s14+$0x0], $0xffff;
	[tilespmem:s25+$0xD0] =	vst v17  }
0xb1: {  	_ =	sdelay $0x2  }
0xb2: {  	[tilespmem:s25+$0xE0] =	vst v15  }
0xb3: {  	[tilespmem:s25+$0x100] =	vst v14;
	v8 =	vld.idx.msk [tilespmem:v8+s14+$0x0], $0xffff  }
0xb4: {  	[tilespmem:s25+$0x110] =	vst v13;
	v9 =	vld.idx.msk [tilespmem:v9+s14+$0x0], $0xffff  }
0xb5: {  	v7 =	vld.idx.msk [tilespmem:v7+s14+$0x0], $0xffff;
	[tilespmem:s25+$0x120] =	vst v16  }
0xb6: {  	[tilespmem:s25+$0x130] =	vst v3;
	v3 =	vld.idx.msk [tilespmem:v6+s14+$0x0], $0xffff  }
0xb7: {  	v5 =	vld.idx.msk [tilespmem:v5+s14+$0x0], $0xffff;
	[tilespmem:s25+$0x140] =	vst v10  }
0xb8: {  	v4 =	vld.idx.msk [tilespmem:v4+s14+$0x0], $0xffff;
	[tilespmem:s25+$0x150] =	vst v8  }
0xb9: {  	v2 =	vld.idx.msk [tilespmem:v2+s14+$0x0], $0xffff;
	[tilespmem:s25+$0x160] =	vst v9  }
0xba: {  	[tilespmem:s25+$0x180] =	vst v7;
	v1 =	vld.idx.msk [tilespmem:v1+s14+$0x0], $0xffff  }
0xbb: {  	v0 =	vld.idx.msk [tilespmem:v0+s14+$0x0], $0xffff;
	[tilespmem:s26+$0x190] =	vst v3  }
0xbc: {  	[tilespmem:s26+$0x1A0] =	vst v5  }
0xbd: {  	[tilespmem:s26+$0x1B0] =	vst v4  }
0xbe: {  	[tilespmem:s26+$0x1C0] =	vst v2  }
0xbf: {  	s31 =	sshll.u32 s23, $0xC;
	[tilespmem:s26+$0x1D0] =	vst v1  }
0xc0: {  	p1 =	seq.s32 s23, $0x1F;
	s25 =	sadd.s32 s31, s9;
	[tilespmem:s26+$0x1E0] =	vst v0  }
0xc1: {  	[hbm4b:s25+s5] =	stream.linear.scatter [tilespmem:s17], [sflag:$0x3], $0x4000, $0x38;
	[tilespmem:$0x10800] =	vst v63  }
0xc2: {  	s25 =	sadd.s32 @!p1 s24, s10  }
0xc3: {  	s25 =	sshll.u32 @!p1 s25, $0x8  }
0xc4: {  	s28 =	simm.s32 @!p1 $0x800;
	s26 =	simm.s32 @!p1 $0x0;
	s25 =	sadd.s32 @!p1 s2, s25  }
0xc5: {  	[tilespmem:s28], [sflag:$0x1] =	stream.linear.gather @!p1 [hbm4b:s25+s26], $0x4000, $0x38;
	[tilespmem:$0x10800] =	vst v63  }
0xc6: {  	_ =	swait.ge [sflag:s18], $0x4000  }
0xc7: {  	[sflag:s18] =	ssyncset.done $0x0  }
0xc8: {  	s25 =	simm.s32 @!p0 $0x4;
	[sflag:s18] =	ssyncadd.s32 $0xFFFFC000  }
0xc9: {  	_ =	swait.ge @!p0 [sflag:s25], $0x4000  }
0xca: {  	[sflag:s25] =	ssyncset.done @!p0 $0x0  }
0xcb: {  	s26 =	simm.s32 $0x40;
	[sflag:s25] =	ssyncadd.s32 @!p0 $0xFFFFC000  }
0xcc: {  	v0 =	vld [tilespmem:s26+$0x30]  }
0xcd: {  	v1 =	vld [tilespmem:s26+$0xFFFFFFD0]  }
0xce: {  	v6 =	vld [tilespmem:s26+$0xFFFFFFF0]  }
0xcf: {  	v3 =	vld [tilespmem:s26+$0xFFFFFFE0]  }
0xd0: {  	v5 =	vld [tilespmem:s26+$0xFFFFFFC0]  }
0xd1: {  	v2 =	vshll.u32 v0, $0x3  }
0xd2: {  	v0 =	vand.u32 $0x7F, v0;
	v2 =	vand.u32 $0xFFFFFC00, v2  }
0xd3: {  	v13 =	vshll.u32 v6, $0x3;
	v4 =	vor.u32 v0, v2;
	v0 =	vshll.u32 v1, $0x3  }
0xd4: {  	v6 =	vand.u32 $0x7F, v6;
	v2 =	vand.u32 $0xFFFFFC00, v0;
	v0 =	vshll.u32 v3, $0x3  }
0xd5: {  	v8 =	vld [tilespmem:s26+$0x10];
	v1 =	vand.u32 $0x7F, v1;
	v9 =	vand.u32 $0xFFFFFC00, v0;
	v0 =	vshll.u32 v5, $0x3  }
0xd6: {  	v7 =	vld [tilespmem:s26+$0x0];
	v5 =	vand.u32 $0x7F, v5;
	v2 =	vor.u32 v1, v2;
	v0 =	vand.u32 $0xFFFFFC00, v0  }
0xd7: {  	v3 =	vand.u32 $0x7F, v3;
	v0 =	vor.u32 v5, v0;
	v5 =	vand.u32 $0xFFFFFC00, v13  }
0xd8: {  	v1 =	vor.u32 v3, v9;
	v10 =	vld.idx.msk [tilespmem:v4+s15+$0x0], $0xffff;
	v3 =	vor.u32 v6, v5  }
0xd9: {  	v12 =	vld [tilespmem:s26+$0x20];
	v11 =	vor.u32 $0x80, v4  }
0xda: {  	v9 =	vshll.u32 v8, $0x3  }
0xdb: {  	v13 =	vshll.u32 v7, $0x3;
	v5 =	vand.u32 $0xFFFFFC00, v9;
	v9 =	vld.idx.msk [tilespmem:v2+s15+$0x0], $0xffff  }
0xdc: {  	s25 =	simm.s32 $0xCA00;
	v15 =	vor.u32 $0x80, v2;
	v7 =	vand.u32 $0x7F, v7;
	v13 =	vand.u32 $0xFFFFFC00, v13  }
0xdd: {  	v6 =	vand.u32 $0x7F, v8;
	[tilespmem:s25+$0xFFFFFE70] =	vst v10;
	v10 =	vor.u32 v7, v13;
	v14 =	vld.idx.msk [tilespmem:v3+s15+$0x0], $0xffff  }
0xde: {  	v8 =	vshll.u32 v12, $0x3;
	v7 =	vld.idx.msk [tilespmem:v11+s15+$0x0], $0xffff;
	v11 =	vor.u32 v6, v5  }
0xdf: {  	v13 =	vor.u32 $0x100, v4;
	v5 =	vld.idx.msk [tilespmem:v0+s15+$0x0], $0xffff;
	v6 =	vand.u32 $0xFFFFFC00, v8;
	v8 =	vand.u32 $0x7F, v12  }
0xe0: {  	v12 =	vor.u32 v8, v6;
	v6 =	vld.idx.msk [tilespmem:v1+s15+$0x0], $0xffff;
	v8 =	vor.u32 $0x80, v0;
	[tilespmem:s25+$0xFFFFFE10] =	vst v9  }
0xe1: {  	v15 =	vld.idx.msk [tilespmem:v15+s15+$0x0], $0xffff  }
0xe2: {  	v17 =	vor.u32 $0x80, v1;
	v16 =	vld.idx.msk [tilespmem:v10+s15+$0x0], $0xffff  }
0xe3: {  	v18 =	vld.idx.msk [tilespmem:v11+s15+$0x0], $0xffff;
	[tilespmem:s25+$0xFFFFFEF0] =	vst v7;
	v7 =	vor.u32 $0x80, v3  }
0xe4: {  	[tilespmem:s25+$0xFFFFFE00] =	vst v5;
	v5 =	vld.idx.msk [tilespmem:v13+s15+$0x0], $0xffff;
	v13 =	vor.u32 $0x80, v10  }
0xe5: {  	v19 =	vor.u32 $0x80, v11;
	[tilespmem:s25+$0xFFFFFE30] =	vst v14;
	v8 =	vld.idx.msk [tilespmem:v8+s15+$0x0], $0xffff  }
0xe6: {  	v9 =	vld.idx.msk [tilespmem:v12+s15+$0x0], $0xffff;
	[tilespmem:s25+$0xFFFFFE20] =	vst v6;
	v6 =	vor.u32 $0x180, v4  }
0xe7: {  	v14 =	vor.u32 $0x80, v12;
	v17 =	vld.idx.msk [tilespmem:v17+s15+$0x0], $0xffff;
	[tilespmem:s25+$0xFFFFFE40] =	vst v16  }
0xe8: {  	v16 =	vor.u32 $0x100, v0;
	v7 =	vld.idx.msk [tilespmem:v7+s15+$0x0], $0xffff;
	[tilespmem:s25+$0xFFFFFE50] =	vst v18  }
0xe9: {  	v18 =	vor.u32 $0x100, v2;
	v13 =	vld.idx.msk [tilespmem:v13+s15+$0x0], $0xffff;
	[tilespmem:s25+$0xFFFFFF70] =	vst v5  }
0xea: {  	v5 =	vor.u32 $0x100, v1;
	[tilespmem:s25+$0xFFFFFE80] =	vst v8;
	v8 =	vld.idx.msk [tilespmem:v19+s15+$0x0], $0xffff  }
0xeb: {  	[tilespmem:s25+$0xFFFFFE60] =	vst v9;
	v9 =	vor.u32 $0x100, v3;
	v6 =	vld.idx.msk [tilespmem:v6+s15+$0x0], $0xffff  }
0xec: {  	[tilespmem:s25+$0xFFFFFE90] =	vst v15;
	v19 =	vor.u32 $0x100, v10;
	v14 =	vld.idx.msk [tilespmem:v14+s15+$0x0], $0xffff  }
0xed: {  	[tilespmem:s25+$0xFFFFFEA0] =	vst v17;
	v17 =	vor.u32 $0x100, v11;
	v16 =	vld.idx.msk [tilespmem:v16+s15+$0x0], $0xffff  }
0xee: {  	v15 =	vor.u32 $0x200, v4;
	v18 =	vld.idx.msk [tilespmem:v18+s15+$0x0], $0xffff;
	[tilespmem:s25+$0xFFFFFEB0] =	vst v7  }
0xef: {  	v7 =	vor.u32 $0x100, v12;
	v5 =	vld.idx.msk [tilespmem:v5+s15+$0x0], $0xffff;
	[tilespmem:s25+$0xFFFFFEC0] =	vst v13  }
0xf0: {  	v13 =	vor.u32 $0x180, v0;
	v9 =	vld.idx.msk [tilespmem:v9+s15+$0x0], $0xffff;
	[tilespmem:s25+$0xFFFFFED0] =	vst v8  }
0xf1: {  	[tilespmem:s25+$0xFFFFFFF0] =	vst v6;
	v6 =	vor.u32 $0x180, v2;
	v19 =	vld.idx.msk [tilespmem:v19+s15+$0x0], $0xffff  }
0xf2: {  	[tilespmem:s25+$0xFFFFFEE0] =	vst v14;
	v14 =	vld.idx.msk [tilespmem:v17+s15+$0x0], $0xffff;
	v17 =	vor.u32 $0x180, v3  }
0xf3: {  	v8 =	vld.idx.msk [tilespmem:v15+s15+$0x0], $0xffff;
	v15 =	vor.u32 $0x180, v1;
	[tilespmem:s25+$0xFFFFFF00] =	vst v16  }
0xf4: {  	v16 =	vor.u32 $0x280, v4;
	[tilespmem:s25+$0xFFFFFF10] =	vst v18;
	v7 =	vld.idx.msk [tilespmem:v7+s15+$0x0], $0xffff  }
0xf5: {  	v18 =	vor.u32 $0x180, v10;
	v13 =	vld.idx.msk [tilespmem:v13+s15+$0x0], $0xffff;
	[tilespmem:s25+$0xFFFFFF20] =	vst v5  }
0xf6: {  	v5 =	vor.u32 $0x180, v11;
	[tilespmem:s25+$0xFFFFFF30] =	vst v9;
	v6 =	vld.idx.msk [tilespmem:v6+s15+$0x0], $0xffff  }
0xf7: {  	v9 =	vor.u32 $0x180, v12;
	[tilespmem:s25+$0xFFFFFF40] =	vst v19;
	v17 =	vld.idx.msk [tilespmem:v17+s15+$0x0], $0xffff  }
0xf8: {  	v15 =	vld.idx.msk [tilespmem:v15+s15+$0x0], $0xffff;
	[tilespmem:s25+$0x70] =	vst v8;
	v8 =	vor.u32 $0x200, v0  }
0xf9: {  	v19 =	vor.u32 $0x200, v2;
	[tilespmem:s25+$0xFFFFFF50] =	vst v14;
	v16 =	vld.idx.msk [tilespmem:v16+s15+$0x0], $0xffff  }
0xfa: {  	v14 =	vld.idx.msk [tilespmem:v18+s15+$0x0], $0xffff;
	[tilespmem:s25+$0xFFFFFF60] =	vst v7;
	v7 =	vor.u32 $0x300, v4  }
0xfb: {  	v18 =	vor.u32 $0x200, v1;
	[tilespmem:s25+$0xFFFFFF80] =	vst v13;
	v5 =	vld.idx.msk [tilespmem:v5+s15+$0x0], $0xffff  }
0xfc: {  	v13 =	vor.u32 $0x200, v3;
	[tilespmem:s25+$0xFFFFFF90] =	vst v6;
	v6 =	vld.idx.msk [tilespmem:v9+s15+$0x0], $0xffff  }
0xfd: {  	v9 =	vor.u32 $0x200, v10;
	v8 =	vld.idx.msk [tilespmem:v8+s15+$0x0], $0xffff;
	[tilespmem:s25+$0xFFFFFFA0] =	vst v15  }
0xfe: {  	v15 =	vor.u32 $0x200, v11;
	v19 =	vld.idx.msk [tilespmem:v19+s15+$0x0], $0xffff;
	[tilespmem:s25+$0xF0] =	vst v16  }
0xff: {  	[tilespmem:s25+$0xFFFFFFB0] =	vst v17;
	v16 =	vor.u32 $0x200, v12;
	v7 =	vld.idx.msk [tilespmem:v7+s15+$0x0], $0xffff  }
0x100: {  	v17 =	vor.u32 $0x280, v0;
	v18 =	vld.idx.msk [tilespmem:v18+s15+$0x0], $0xffff;
	[tilespmem:s25+$0xFFFFFFC0] =	vst v14  }
0x101: {  	v4 =	vor.u32 $0x380, v4;
	v13 =	vld.idx.msk [tilespmem:v13+s15+$0x0], $0xffff;
	[tilespmem:s25+$0xFFFFFFD0] =	vst v5  }
0x102: {  	v5 =	vor.u32 $0x280, v2;
	v9 =	vld.idx.msk [tilespmem:v9+s15+$0x0], $0xffff;
	[tilespmem:s25+$0xFFFFFFE0] =	vst v6  }
0x103: {  	v6 =	vor.u32 $0x280, v1;
	[tilespmem:s25+$0x0] =	vst v8;
	v8 =	vld.idx.msk [tilespmem:v15+s15+$0x0], $0xffff  }
0x104: {  	v14 =	vor.u32 $0x280, v3;
	[tilespmem:s25+$0x10] =	vst v19;
	v15 =	vld.idx.msk [tilespmem:v16+s15+$0x0], $0xffff  }
0x105: {  	v16 =	vor.u32 $0x280, v10;
	v17 =	vld.idx.msk [tilespmem:v17+s15+$0x0], $0xffff;
	[tilespmem:s25+$0x170] =	vst v7  }
0x106: {  	v7 =	vor.u32 $0x280, v11;
	[tilespmem:s25+$0x20] =	vst v18;
	v4 =	vld.idx.msk [tilespmem:v4+s15+$0x0], $0xffff  }
0x107: {  	v18 =	vor.u32 $0x280, v12;
	v5 =	vld.idx.msk [tilespmem:v5+s15+$0x0], $0xffff;
	[tilespmem:s25+$0x30] =	vst v13  }
0x108: {  	v13 =	vor.u32 $0x300, v0;
	v6 =	vld.idx.msk [tilespmem:v6+s15+$0x0], $0xffff;
	[tilespmem:s25+$0x40] =	vst v9  }
0x109: {  	v9 =	vor.u32 $0x300, v2;
	v19 =	vld.idx.msk [tilespmem:v14+s15+$0x0], $0xffff;
	[tilespmem:s25+$0x50] =	vst v8  }
0x10a: {  	v20 =	vor.u32 $0x300, v1;
	v21 =	vld.idx.msk [tilespmem:v16+s15+$0x0], $0xffff;
	[tilespmem:s25+$0x60] =	vst v15  }
0x10b: {  	v22 =	vor.u32 $0x300, v3;
	[tilespmem:s25+$0x80] =	vst v17;
	v17 =	vld.idx.msk [tilespmem:v7+s15+$0x0], $0xffff  }
0x10c: {  	v23 =	vor.u32 $0x300, v10;
	v15 =	vld.idx.msk [tilespmem:v18+s15+$0x0], $0xffff;
	[tilespmem:s25+$0x1F0] =	vst v4  }
0x10d: {  	v14 =	vld.idx.msk [tilespmem:v13+s15+$0x0], $0xffff;
	[tilespmem:s25+$0x90] =	vst v5  }
0x10e: {  	v13 =	vld.idx.msk [tilespmem:v9+s15+$0x0], $0xffff;
	[tilespmem:s25+$0xA0] =	vst v6  }
0x10f: {  	v8 =	vor.u32 $0x300, v11;
	v7 =	vor.u32 $0x380, v0;
	v0 =	vor.u32 $0x380, v12;
	[tilespmem:s25+$0xB0] =	vst v19;
	v16 =	vld.idx.msk [tilespmem:v20+s15+$0x0], $0xffff  }
0x110: {  	s29 =	simm.s32 $0x0;
	s31 =	sadd.s32 s24, s6;
	v5 =	vor.u32 $0x380, v1;
	v4 =	vor.u32 $0x380, v3;
	v1 =	vor.u32 $0x380, v11;
	v3 =	vld.idx.msk [tilespmem:v22+s15+$0x0], $0xffff;
	[tilespmem:s25+$0xC0] =	vst v21  }
0x111: {  	s30 =	simm.s32 $0xC0;
	s28 =	simm.s32 $0xCA00;
	s26 =	sadd.s32 $0x8, s31;
	v6 =	vor.u32 $0x380, v2;
	v9 =	vor.u32 $0x300, v12;
	v2 =	vor.u32 $0x380, v10;
	v10 =	vld.idx.msk [tilespmem:v23+s15+$0x0], $0xffff;
	[tilespmem:s25+$0xD0] =	vst v17  }
.LBB2_5:
0x112: {  	v11 =	vld [tilespmem:s30+$0x30];
	s29 =	sadd.s32 $0x8, s29;
	[tilespmem:s25+$0xE0] =	vst v15  }
0x113: {  	v12 =	vld [tilespmem:s30+$0xFFFFFFD0];
	p0 =	slt.u32 s29, $0x78;
	[tilespmem:s25+$0x100] =	vst v14  }
0x114: {  	v14 =	vld [tilespmem:s30+$0xFFFFFFE0];
	[tilespmem:s25+$0x110] =	vst v13  }
0x115: {  	v13 =	vld [tilespmem:s30+$0xFFFFFFF0];
	[tilespmem:s25+$0x120] =	vst v16  }
0x116: {  	v15 =	vld [tilespmem:s30+$0x0];
	[tilespmem:s25+$0x130] =	vst v3  }
0x117: {  	v16 =	vld [tilespmem:s30+$0x10];
	v3 =	vshll.u32 v11, $0x3;
	[tilespmem:s25+$0x140] =	vst v10  }
0x118: {  	v11 =	vand.u32 $0x7F, v11;
	v10 =	vshll.u32 v12, $0x3;
	v17 =	vld [tilespmem:s30+$0x20];
	v3 =	vand.u32 $0xFFFFFC00, v3  }
0x119: {  	v18 =	vld [tilespmem:s30+$0xFFFFFFC0];
	v10 =	vand.u32 $0xFFFFFC00, v10;
	v19 =	vshll.u32 v14, $0x3;
	v3 =	vor.u32 v11, v3  }
0x11a: {  	v11 =	vand.u32 $0x7F, v12;
	v12 =	vand.u32 $0xFFFFFC00, v19;
	v19 =	vshll.u32 v13, $0x3;
	v8 =	vld.idx.msk [tilespmem:v8+s15+$0x0], $0xffff  }
0x11b: {  	v14 =	vand.u32 $0x7F, v14;
	v19 =	vand.u32 $0xFFFFFC00, v19;
	v20 =	vshll.u32 v15, $0x3;
	v9 =	vld.idx.msk [tilespmem:v9+s15+$0x0], $0xffff  }
0x11c: {  	v13 =	vand.u32 $0x7F, v13;
	v20 =	vand.u32 $0xFFFFFC00, v20;
	v21 =	vshll.u32 v16, $0x3;
	v7 =	vld.idx.msk [tilespmem:v7+s15+$0x0], $0xffff  }
0x11d: {  	v15 =	vand.u32 $0x7F, v15;
	v21 =	vand.u32 $0xFFFFFC00, v21;
	v22 =	vshll.u32 v17, $0x3;
	v6 =	vld.idx.msk [tilespmem:v6+s15+$0x0], $0xffff  }
0x11e: {  	v23 =	vand.u32 $0x7F, v18;
	v18 =	vshll.u32 v18, $0x3;
	v22 =	vand.u32 $0xFFFFFC00, v22;
	v24 =	vld.idx.msk [tilespmem:v3+s15+$0x0], $0xffff  }
0x11f: {  	v16 =	vand.u32 $0x7F, v16;
	v17 =	vand.u32 $0x7F, v17;
	v18 =	vand.u32 $0xFFFFFC00, v18;
	v5 =	vld.idx.msk [tilespmem:v5+s15+$0x0], $0xffff  }
0x120: {  	v25 =	vor.u32 v11, v10;
	v10 =	vor.u32 $0x80, v3;
	v23 =	vor.u32 v23, v18;
	v4 =	vld.idx.msk [tilespmem:v4+s15+$0x0], $0xffff;
	[tilespmem:s25+$0x150] =	vst v8  }
0x121: {  	v26 =	vor.u32 v14, v12;
	v27 =	vor.u32 v13, v19;
	v28 =	vor.u32 v15, v20;
	[tilespmem:s25+$0x160] =	vst v9  }
0x122: {  	v21 =	vor.u32 v16, v21;
	v22 =	vor.u32 v17, v22;
	v8 =	vor.u32 $0x80, v23;
	[tilespmem:s25+$0x180] =	vst v7;
	v2 =	vld.idx.msk [tilespmem:v2+s15+$0x0], $0xffff  }
0x123: {  	v29 =	vor.u32 $0x80, v27;
	v9 =	vor.u32 $0x80, v26;
	v7 =	vor.u32 $0x80, v25;
	s25 =	sadd.s32 $0x400, s25;
	[tilespmem:s28+$0x190] =	vst v6;
	v1 =	vld.idx.msk [tilespmem:v1+s15+$0x0], $0xffff  }
0x124: {  	v30 =	vor.u32 $0x80, v28;
	v31 =	vor.u32 $0x80, v21;
	v32 =	vor.u32 $0x80, v22;
	[tilespmem:s25+$0xFFFFFE70] =	vst v24;
	v0 =	vld.idx.msk [tilespmem:v0+s15+$0x0], $0xffff  }
0x125: {  	v33 =	vor.u32 $0x100, v25;
	v34 =	vor.u32 $0x100, v26;
	v24 =	vor.u32 $0x100, v23;
	v6 =	vld.idx.msk [tilespmem:v10+s15+$0x0], $0xffff;
	[tilespmem:s28+$0x1A0] =	vst v5  }
0x126: {  	v35 =	vor.u32 $0x100, v27;
	v36 =	vor.u32 $0x100, v28;
	v37 =	vor.u32 $0x100, v21;
	v5 =	vld.idx.msk [tilespmem:v23+s15+$0x0], $0xffff;
	[tilespmem:s28+$0x1B0] =	vst v4  }
0x127: {  	v39 =	vor.u32 $0x100, v22;
	v38 =	vor.u32 $0x180, v23;
	v10 =	vor.u32 $0x100, v3;
	v4 =	vld.idx.msk [tilespmem:v25+s15+$0x0], $0xffff  }
0x128: {  	v40 =	vor.u32 $0x180, v25;
	v41 =	vor.u32 $0x180, v26;
	v42 =	vor.u32 $0x180, v27;
	v11 =	vld.idx.msk [tilespmem:v26+s15+$0x0], $0xffff;
	[tilespmem:s28+$0x1C0] =	vst v2  }
0x129: {  	v43 =	vor.u32 $0x180, v28;
	v44 =	vor.u32 $0x180, v21;
	v45 =	vor.u32 $0x180, v22;
	v2 =	vld.idx.msk [tilespmem:v27+s15+$0x0], $0xffff;
	[tilespmem:s28+$0x1D0] =	vst v1  }
0x12a: {  	v47 =	vor.u32 $0x200, v25;
	v48 =	vor.u32 $0x200, v26;
	v46 =	vor.u32 $0x200, v23;
	v1 =	vld.idx.msk [tilespmem:v28+s15+$0x0], $0xffff;
	[tilespmem:s28+$0x1E0] =	vst v0;
	s28 =	smov.u32 s25  }
0x12b: {  	v49 =	vor.u32 $0x200, v27;
	v50 =	vor.u32 $0x200, v28;
	v51 =	vor.u32 $0x200, v21;
	v0 =	vld.idx.msk [tilespmem:v21+s15+$0x0], $0xffff;
	[tilespmem:s25+$0xFFFFFEF0] =	vst v6  }
0x12c: {  	v18 =	vor.u32 $0x280, v25;
	v53 =	vor.u32 $0x200, v22;
	v52 =	vor.u32 $0x280, v23;
	[tilespmem:s25+$0xFFFFFE00] =	vst v5;
	v54 =	vld.idx.msk [tilespmem:v10+s15+$0x0], $0xffff  }
0x12d: {  	v20 =	vor.u32 $0x280, v26;
	v19 =	vor.u32 $0x280, v27;
	v15 =	vor.u32 $0x280, v28;
	[tilespmem:s25+$0xFFFFFE10] =	vst v4;
	v55 =	vld.idx.msk [tilespmem:v22+s15+$0x0], $0xffff  }
0x12e: {  	v57 =	vor.u32 $0x180, v3;
	v17 =	vor.u32 $0x280, v21;
	v16 =	vor.u32 $0x280, v22;
	v56 =	vld.idx.msk [tilespmem:v8+s15+$0x0], $0xffff;
	[tilespmem:s25+$0xFFFFFE20] =	vst v11  }
0x12f: {  	v13 =	vor.u32 $0x300, v25;
	v14 =	vor.u32 $0x300, v23;
	v10 =	vor.u32 $0x300, v26;
	v58 =	vld.idx.msk [tilespmem:v7+s15+$0x0], $0xffff;
	[tilespmem:s25+$0xFFFFFE30] =	vst v2  }
0x130: {  	v12 =	vor.u32 $0x300, v27;
	v11 =	vor.u32 $0x300, v28;
	v8 =	vor.u32 $0x300, v21;
	v59 =	vld.idx.msk [tilespmem:v9+s15+$0x0], $0xffff;
	[tilespmem:s25+$0xFFFFFE40] =	vst v1  }
0x131: {  	v6 =	vor.u32 $0x380, v25;
	v7 =	vor.u32 $0x380, v23;
	v9 =	vor.u32 $0x300, v22;
	v23 =	vld.idx.msk [tilespmem:v29+s15+$0x0], $0xffff;
	[tilespmem:s25+$0xFFFFFE50] =	vst v0  }
0x132: {  	v5 =	vor.u32 $0x380, v26;
	v4 =	vor.u32 $0x380, v27;
	v2 =	vor.u32 $0x380, v28;
	v25 =	vld.idx.msk [tilespmem:v30+s15+$0x0], $0xffff;
	[tilespmem:s25+$0xFFFFFF70] =	vst v54  }
0x133: {  	v1 =	vor.u32 $0x380, v21;
	v0 =	vor.u32 $0x380, v22;
	[tilespmem:s25+$0xFFFFFE60] =	vst v55;
	v21 =	vld.idx.msk [tilespmem:v57+s15+$0x0], $0xffff  }
0x134: {  	[tilespmem:s25+$0xFFFFFE80] =	vst v56;
	v22 =	vld.idx.msk [tilespmem:v31+s15+$0x0], $0xffff  }
0x135: {  	v27 =	vor.u32 $0x200, v3;
	[tilespmem:s25+$0xFFFFFE90] =	vst v58;
	v26 =	vld.idx.msk [tilespmem:v32+s15+$0x0], $0xffff  }
0x136: {  	v24 =	vld.idx.msk [tilespmem:v24+s15+$0x0], $0xffff;
	[tilespmem:s25+$0xFFFFFEA0] =	vst v59  }
0x137: {  	v28 =	vld.idx.msk [tilespmem:v33+s15+$0x0], $0xffff;
	[tilespmem:s25+$0xFFFFFEB0] =	vst v23  }
0x138: {  	v23 =	vld.idx.msk [tilespmem:v34+s15+$0x0], $0xffff;
	[tilespmem:s25+$0xFFFFFEC0] =	vst v25  }
0x139: {  	v25 =	vld.idx.msk [tilespmem:v35+s15+$0x0], $0xffff;
	[tilespmem:s25+$0xFFFFFFF0] =	vst v21  }
0x13a: {  	[tilespmem:s25+$0xFFFFFED0] =	vst v22;
	v21 =	vld.idx.msk [tilespmem:v27+s15+$0x0], $0xffff  }
0x13b: {  	v22 =	vld.idx.msk [tilespmem:v36+s15+$0x0], $0xffff;
	[tilespmem:s25+$0xFFFFFEE0] =	vst v26  }
0x13c: {  	v26 =	vor.u32 $0x280, v3;
	[tilespmem:s25+$0xFFFFFF00] =	vst v24;
	v24 =	vld.idx.msk [tilespmem:v37+s15+$0x0], $0xffff  }
0x13d: {  	[tilespmem:s25+$0xFFFFFF10] =	vst v28;
	v27 =	vld.idx.msk [tilespmem:v39+s15+$0x0], $0xffff  }
0x13e: {  	v28 =	vld.idx.msk [tilespmem:v38+s15+$0x0], $0xffff;
	[tilespmem:s25+$0xFFFFFF20] =	vst v23  }
0x13f: {  	v23 =	vld.idx.msk [tilespmem:v40+s15+$0x0], $0xffff;
	[tilespmem:s25+$0xFFFFFF30] =	vst v25  }
0x140: {  	v25 =	vld.idx.msk [tilespmem:v41+s15+$0x0], $0xffff;
	[tilespmem:s25+$0x70] =	vst v21  }
0x141: {  	[tilespmem:s25+$0xFFFFFF40] =	vst v22;
	v21 =	vld.idx.msk [tilespmem:v26+s15+$0x0], $0xffff  }
0x142: {  	v22 =	vld.idx.msk [tilespmem:v42+s15+$0x0], $0xffff;
	[tilespmem:s25+$0xFFFFFF50] =	vst v24  }
0x143: {  	v26 =	vor.u32 $0x300, v3;
	v24 =	vld.idx.msk [tilespmem:v43+s15+$0x0], $0xffff;
	[tilespmem:s25+$0xFFFFFF60] =	vst v27  }
0x144: {  	[tilespmem:s25+$0xFFFFFF80] =	vst v28;
	v27 =	vld.idx.msk [tilespmem:v44+s15+$0x0], $0xffff  }
0x145: {  	[tilespmem:s25+$0xFFFFFF90] =	vst v23;
	v23 =	vld.idx.msk [tilespmem:v45+s15+$0x0], $0xffff  }
0x146: {  	v28 =	vld.idx.msk [tilespmem:v46+s15+$0x0], $0xffff;
	[tilespmem:s25+$0xFFFFFFA0] =	vst v25  }
0x147: {  	v25 =	vld.idx.msk [tilespmem:v47+s15+$0x0], $0xffff;
	[tilespmem:s25+$0xF0] =	vst v21  }
0x148: {  	[tilespmem:s25+$0xFFFFFFB0] =	vst v22;
	v21 =	vld.idx.msk [tilespmem:v26+s15+$0x0], $0xffff  }
0x149: {  	v22 =	vld.idx.msk [tilespmem:v48+s15+$0x0], $0xffff;
	[tilespmem:s25+$0xFFFFFFC0] =	vst v24  }
0x14a: {  	v3 =	vor.u32 $0x380, v3;
	v24 =	vld.idx.msk [tilespmem:v49+s15+$0x0], $0xffff;
	[tilespmem:s25+$0xFFFFFFD0] =	vst v27  }
0x14b: {  	v26 =	vld.idx.msk [tilespmem:v50+s15+$0x0], $0xffff;
	[tilespmem:s25+$0xFFFFFFE0] =	vst v23  }
0x14c: {  	[tilespmem:s25+$0x0] =	vst v28;
	v23 =	vld.idx.msk [tilespmem:v51+s15+$0x0], $0xffff  }
0x14d: {  	[tilespmem:s25+$0x10] =	vst v25;
	v25 =	vld.idx.msk [tilespmem:v53+s15+$0x0], $0xffff  }
0x14e: {  	v27 =	vld.idx.msk [tilespmem:v52+s15+$0x0], $0xffff;
	[tilespmem:s25+$0x170] =	vst v21  }
0x14f: {  	[tilespmem:s25+$0x20] =	vst v22;
	v3 =	vld.idx.msk [tilespmem:v3+s15+$0x0], $0xffff  }
0x150: {  	v18 =	vld.idx.msk [tilespmem:v18+s15+$0x0], $0xffff;
	[tilespmem:s25+$0x30] =	vst v24  }
0x151: {  	v20 =	vld.idx.msk [tilespmem:v20+s15+$0x0], $0xffff;
	[tilespmem:s25+$0x40] =	vst v26  }
0x152: {  	v19 =	vld.idx.msk [tilespmem:v19+s15+$0x0], $0xffff;
	[tilespmem:s25+$0x50] =	vst v23  }
0x153: {  	v21 =	vld.idx.msk [tilespmem:v15+s15+$0x0], $0xffff;
	[tilespmem:s25+$0x60] =	vst v25  }
0x154: {  	[tilespmem:s25+$0x80] =	vst v27;
	v17 =	vld.idx.msk [tilespmem:v17+s15+$0x0], $0xffff  }
0x155: {  	v15 =	vld.idx.msk [tilespmem:v16+s15+$0x0], $0xffff;
	[tilespmem:s25+$0x1F0] =	vst v3  }
.Ltmp3:
0x156: {  	v14 =	vld.idx.msk [tilespmem:v14+s15+$0x0], $0xffff;
	[tilespmem:s25+$0x90] =	vst v18;
	(pc) =	sbr.rel @p0 .LBB2_5-.Ltmp3, $4  }
0x157: {  	v13 =	vld.idx.msk [tilespmem:v13+s15+$0x0], $0xffff;
	[tilespmem:s25+$0xA0] =	vst v20  }
0x158: {  	v16 =	vld.idx.msk [tilespmem:v10+s15+$0x0], $0xffff;
	[tilespmem:s25+$0xB0] =	vst v19  }
0x159: {  	v3 =	vld.idx.msk [tilespmem:v12+s15+$0x0], $0xffff;
	[tilespmem:s25+$0xC0] =	vst v21  }
0x15a: {  	s30 =	sadd.s32 $0x80, s30;
	v10 =	vld.idx.msk [tilespmem:v11+s15+$0x0], $0xffff;
	[tilespmem:s25+$0xD0] =	vst v17  }
0x15b: {  	_ =	sdelay $0x2  }
0x15c: {  	[tilespmem:s25+$0xE0] =	vst v15  }
0x15d: {  	[tilespmem:s25+$0x100] =	vst v14;
	v8 =	vld.idx.msk [tilespmem:v8+s15+$0x0], $0xffff  }
0x15e: {  	[tilespmem:s25+$0x110] =	vst v13;
	v9 =	vld.idx.msk [tilespmem:v9+s15+$0x0], $0xffff  }
0x15f: {  	v7 =	vld.idx.msk [tilespmem:v7+s15+$0x0], $0xffff;
	[tilespmem:s25+$0x120] =	vst v16  }
0x160: {  	v63 =	vld.idx.msk [tilespmem:v6+s15+$0x0], $0xffff;
	[tilespmem:s25+$0x130] =	vst v3  }
0x161: {  	v5 =	vld.idx.msk [tilespmem:v5+s15+$0x0], $0xffff;
	[tilespmem:s25+$0x140] =	vst v10  }
0x162: {  	v4 =	vld.idx.msk [tilespmem:v4+s15+$0x0], $0xffff;
	[tilespmem:s25+$0x150] =	vst v8  }
0x163: {  	v2 =	vld.idx.msk [tilespmem:v2+s15+$0x0], $0xffff;
	[tilespmem:s25+$0x160] =	vst v9  }
0x164: {  	[tilespmem:s25+$0x180] =	vst v7;
	v1 =	vld.idx.msk [tilespmem:v1+s15+$0x0], $0xffff  }
0x165: {  	[tilespmem:s28+$0x190] =	vst v63;
	v0 =	vld.idx.msk [tilespmem:v0+s15+$0x0], $0xffff  }
0x166: {  	[tilespmem:s28+$0x1A0] =	vst v5  }
.Ltmp4:
0x167: {  	[tilespmem:s28+$0x1B0] =	vst v4;
	(pc) =	sbr.rel @p1 .LBB2_8-.Ltmp4, $4  }
0x168: {  	[tilespmem:s28+$0x1C0] =	vst v2  }
0x169: {  	s31 =	sshll.u32 s26, $0x8;
	[tilespmem:s28+$0x1D0] =	vst v1  }
0x16a: {  	s25 =	sadd.s32 s4, s31;
	[tilespmem:s28+$0x1E0] =	vst v0  }
0x16b: {  	[hbm4b:s25+s5] =	stream.linear.scatter [tilespmem:s19], [sflag:$0x4], $0x4000, $0x38;
	[tilespmem:$0x10800] =	vst v63  }
.Ltmp5:
0x16c: {  	(pc) =	sbr.rel .LBB2_2-.Ltmp5, $4  }
0x16d: {  	s24 =	sadd.s32 s24, s11  }
0x16e: {  	s24 =	sshll.u32 s24, $0x8  }
0x16f: {  	s23 =	sadd.s32 $0x1, s23;
	s24 =	sadd.s32 s2, s24  }
0x170: {  	[tilespmem:s15], [sflag:$0x2] =	stream.linear.gather [hbm4b:s24+s5], $0x4000, $0x38;
	[tilespmem:$0x10800] =	vst v63  }
.LBB2_9:
0x171: {  	_ =	sfence.sel $0x180000  }
0x172: {  	[bflag:$0x0] =	sbarrier.arrive $0xFFFF  }
0x173: {  	p0 =	sne.s32 s1, $0x0;
	_ =	strace $0x90000047  }
0x174: {  	s0 =	sadd.s32 @!p0 $0x100000, s0;
	[bflag:$0x2] =	sbarrier.arrive $0xFFFF  }
0x175: {  	[sflag:s0] =	ssyncadd.tile.s32 @!p0 $0x1;
	_ =	shalt  }
.Lfunc_end2:
_tile_overlayer_lowered:
.L_overlay_start_2:
0x176: {  	(tag) =	ssettag $0x2  }
0x177: {  	s0 =	rddreg [dreg:$0x0];
	s2 =	stileid.u32  }
0x178: {  	s1 =	rddreg [dreg:$0x1];
	p0 =	sne.s32 s2, $0x0  }
0x179: {  	s3 =	rddreg [dreg:$0x2];
	[bflag:$0x3] =	sbarrier.arrive $0xFFFF;
	s2 =	simm.s32 @!p0 $0x1C05  }
0x17a: {  	[timem:s3], [sflag:s2] =	dma.local @!p0 [hbm:s0], s1  }
0x17b: {  	s0 =	simm.s32 @!p0 $0x5  }
0x17c: {  	_ =	swait.ge @!p0 [sflag:s0], s1  }
0x17d: {  	s1 =	ssub.s32 @!p0 $0x0, s1;
	[sflag:s0] =	ssyncset.done @!p0 $0x0  }
0x17e: {  	[sflag:s0] =	ssyncadd.s32 @!p0 s1  }
0x17f: {  	[bflag:$0x3] =	sbarrier.arrive $0xFFFF  }
0x180: {  	_ =	shalt  }

</sc_bundles>
